<compile_context>
chip_gen: v7x
topology: tpu7x:2x2x1
jax: 0.10.2.dev20260603
libtpu: 0.0.44.dev20260713+nightly
codegen_flags: <defaults>
</compile_context>

<pallas_src>
import functools

import jax
import jax.numpy as jnp
from jax import lax
from jax.experimental import pallas as pl
from jax.experimental.pallas import tpu as pltpu
from jax.experimental.pallas import tpu_sc as plsc

S = 14
B = 2
C = 20
WH = 448.0
TH = 8e-25
IOU_TH = 0.1
G = S * S * B
GP = 512
M = G * C
MP = 8192
CELLS = S * S
NR = MP // 128


def _b1_body(cp_ref, conf_ref, boxes_ref, key_ref, isf_ref, geom_ref, ints_ref):
    cp = cp_ref[...]
    conf = conf_ref[...]
    boxes = boxes_ref[...]
    lane = jax.lax.broadcasted_iota(jnp.int32, (CELLS, 128), 1)
    row = jax.lax.broadcasted_iota(jnp.int32, (CELLS, 128), 0)
    s1 = (row // S).astype(jnp.float32)
    s2 = (row % S).astype(jnp.float32)
    lane_ok = lane < C
    for i in range(B):
        eP = cp * conf[:, i:i + 1]
        p = jnp.where(lane_ok & (eP >= TH), eP, 0.0)
        key_ref[i] = jax.lax.bitcast_convert_type(p, jnp.uint32)
        maxp = jnp.max(p, axis=1, keepdims=True)
        pos = maxp > 0.0
        jfirst = jnp.min(jnp.where(p == maxp, lane, 9999), axis=1, keepdims=True)
        jfirst = jnp.where(pos, jfirst, 0)
        clsb = jnp.min(jnp.where(p > 0.0, lane, 9999), axis=1, keepdims=True)
        clsb = jnp.where(pos, clsb, 0)
        isf_ref[i] = jnp.where((lane == jfirst) & pos, 1.0, 0.0)
        candidx = (row * B + i) * C + jfirst
        bx = (boxes[:, 4 * i:4 * i + 1] + s1) / S * WH
        by = (boxes[:, 4 * i + 1:4 * i + 2] + s2) / S * WH
        bw = jnp.square(boxes[:, 4 * i + 2:4 * i + 3]) * WH
        bh = jnp.square(boxes[:, 4 * i + 3:4 * i + 4]) * WH
        g = jnp.where(lane == 0, bx, 0.0)
        g = g + jnp.where(lane == 1, by, 0.0)
        g = g + jnp.where(lane == 2, bw, 0.0)
        g = g + jnp.where(lane == 3, bh, 0.0)
        g = g + jnp.where(lane == 4, jnp.broadcast_to(maxp, (CELLS, 128)), 0.0)
        geom_ref[i] = g
        gi = jnp.where(lane == 0, jfirst, 0)
        gi = gi + jnp.where(lane == 1, clsb, 0)
        gi = gi + jnp.where(lane == 2, candidx, 0)
        ints_ref[i] = gi


def _b1(cp, conf, boxes):
    return pl.pallas_call(
        _b1_body,
        out_shape=[
            jax.ShapeDtypeStruct((B, CELLS, 128), jnp.uint32),
            jax.ShapeDtypeStruct((B, CELLS, 128), jnp.float32),
            jax.ShapeDtypeStruct((B, CELLS, 128), jnp.float32),
            jax.ShapeDtypeStruct((B, CELLS, 128), jnp.int32),
        ],
    )(cp, conf, boxes)


def _rank_body(keys_ref, keys3_ref, rank3_ref):
    jc = pl.program_id(0)
    jcol = keys3_ref[jc]

    one = jnp.ones((128, 128), jnp.int32)

    def body_lt(kr, acc):
        krow = keys_ref[pl.ds(kr, 1), :]
        return acc + jnp.where(krow >= jcol, one, 0)

    def body_gt(kr, acc):
        krow = keys_ref[pl.ds(kr, 1), :]
        return acc + jnp.where(krow > jcol, one, 0)

    acc = jnp.zeros((128, 128), jnp.int32)
    acc = jax.lax.fori_loop(0, jc, body_lt, acc)
    acc = jax.lax.fori_loop(jc + 1, NR, body_gt, acc)
    krow = keys_ref[pl.ds(jc, 1), :]
    lane = jax.lax.broadcasted_iota(jnp.int32, (128, 128), 1)
    row = jax.lax.broadcasted_iota(jnp.int32, (128, 128), 0)
    acc = acc + jnp.where((krow > jcol) | ((krow == jcol) & (lane < row)), one, 0)
    rank3_ref[jc] = jnp.sum(acc, axis=1, keepdims=True)


def _rank(keys, keys3):
    return pl.pallas_call(
        _rank_body,
        grid=(NR,),
        in_specs=[
            pl.BlockSpec((NR, 128), lambda i: (0, 0)),
            pl.BlockSpec((NR, 128, 1), lambda i: (0, 0, 0)),
        ],
        out_specs=pl.BlockSpec((NR, 128, 1), lambda i: (0, 0, 0)),
        out_shape=jax.ShapeDtypeStruct((NR, 128, 1), jnp.int32),
    )(keys, keys3)


def _b2_body(mkc_ref, mkr_ref, cic_ref, cir_ref, g8_ref, keep_ref):
    mkc = mkc_ref[...]
    mkr = mkr_ref[...]
    cic = cic_ref[...]
    cir = cir_ref[...]
    g8 = g8_ref[...]

    gt_r = (mkc > mkr) | ((mkc == mkr) & (cic < cir))
    br_row = jnp.sum(gt_r.astype(jnp.int32), axis=0, keepdims=True)

    l = g8[0:1] - 0.5 * g8[2:3]
    r = g8[0:1] + 0.5 * g8[2:3]
    t2 = g8[1:2] - 0.5 * g8[3:4]
    b2 = g8[1:2] + 0.5 * g8[3:4]
    area = g8[2:3] * g8[3:4]
    alive0 = (g8[4:5] > 0.0).astype(jnp.float32)

    def step(t, alive):
        oh = (br_row == t).astype(jnp.float32)
        lt = jnp.sum(l * oh, axis=1, keepdims=True)
        rt = jnp.sum(r * oh, axis=1, keepdims=True)
        tt = jnp.sum(t2 * oh, axis=1, keepdims=True)
        bt = jnp.sum(b2 * oh, axis=1, keepdims=True)
        at = jnp.sum(area * oh, axis=1, keepdims=True)
        a_t = jnp.sum(alive * oh, axis=1, keepdims=True)
        tb = jnp.minimum(rt, r) - jnp.maximum(lt, l)
        lr = jnp.minimum(bt, b2) - jnp.maximum(tt, t2)
        inter = jnp.where((tb < 0.0) | (lr < 0.0), 0.0, tb * lr)
        iou = inter / jnp.maximum(at + area - inter, 1e-12)
        dead = (iou > IOU_TH) & (br_row > t) & (a_t > 0.0)
        return jnp.where(dead, 0.0, alive)

    keep_ref[...] = jax.lax.fori_loop(0, G, step, alive0)


def _b2(mkc, mkr, cic, cir, g8):
    return pl.pallas_call(
        _b2_body,
        out_shape=jax.ShapeDtypeStruct((1, GP), jnp.float32),
    )(mkc, mkr, cic, cir, g8)


_NW = 32
_PT = MP // _NW


def _scatter_sc(rank, probs, isf, kbrep, bxr, byr, bwr, bhr, clsr):
    fdt = jnp.float32
    idt = jnp.int32
    out_type = [jax.ShapeDtypeStruct((MP,), fdt) for _ in range(5)] + [
        jax.ShapeDtypeStruct((MP,), idt), jax.ShapeDtypeStruct((MP,), fdt)]
    vm = pltpu.VMEM

    @functools.partial(
        pl.kernel,
        out_type=out_type,
        mesh=plsc.VectorSubcoreMesh(core_axis_name="c", subcore_axis_name="s"),
        scratch_types=[
            vm((128,), idt), vm((128,), idt),
            vm((_PT,), fdt), vm((_PT,), fdt), vm((_PT,), fdt),
            vm((_PT,), fdt), vm((_PT,), fdt), vm((_PT,), fdt), vm((_PT,), fdt),
            vm((_PT,), idt),
            vm((_PT,), fdt), vm((_PT,), fdt),
            pltpu.SemaphoreType.DMA,
        ],
    )
    def k(rank_h, probs_h, isf_h, kb_h, bx_h, by_h, bw_h, bh_h, cls_h,
          obx, oby, obw, obh, op, ocls, okeep,
          rank_v0, rank_v1, probs_v, isf_v, kb_v, bx_v, by_v, bw_v, bh_v,
          cls_v, bp, bkeep, sem):
        wid = lax.axis_index("s") * 2 + lax.axis_index("c")
        base = wid * _PT
        sl0 = pl.ds(base, _PT)
        pltpu.sync_copy(rank_h.at[pl.ds(base, 128)], rank_v0)
        pltpu.sync_copy(rank_h.at[pl.ds(base + 128, 128)], rank_v1)
        pltpu.sync_copy(probs_h.at[sl0], probs_v)
        pltpu.sync_copy(isf_h.at[sl0], isf_v)
        pltpu.sync_copy(kb_h.at[sl0], kb_v)
        pltpu.sync_copy(bx_h.at[sl0], bx_v)
        pltpu.sync_copy(by_h.at[sl0], by_v)
        pltpu.sync_copy(bw_h.at[sl0], bw_v)
        pltpu.sync_copy(bh_h.at[sl0], bh_v)
        pltpu.sync_copy(cls_h.at[sl0], cls_v)
        for i in range(_PT // 16):
            sl = pl.ds(i * 16, 16)
            p = probs_v[sl] * isf_v[sl] * kb_v[sl]
            bp[sl] = p
            bkeep[sl] = jnp.sign(p)
        h0 = pl.ds(0, 128)
        h1 = pl.ds(128, 128)
        cps = [
            pltpu.async_copy(bx_v.at[h0], obx.at[rank_v0], sem),
            pltpu.async_copy(bx_v.at[h1], obx.at[rank_v1], sem),
            pltpu.async_copy(by_v.at[h0], oby.at[rank_v0], sem),
            pltpu.async_copy(by_v.at[h1], oby.at[rank_v1], sem),
            pltpu.async_copy(bw_v.at[h0], obw.at[rank_v0], sem),
            pltpu.async_copy(bw_v.at[h1], obw.at[rank_v1], sem),
            pltpu.async_copy(bh_v.at[h0], obh.at[rank_v0], sem),
            pltpu.async_copy(bh_v.at[h1], obh.at[rank_v1], sem),
            pltpu.async_copy(bp.at[h0], op.at[rank_v0], sem),
            pltpu.async_copy(bp.at[h1], op.at[rank_v1], sem),
            pltpu.async_copy(cls_v.at[h0], ocls.at[rank_v0], sem),
            pltpu.async_copy(cls_v.at[h1], ocls.at[rank_v1], sem),
            pltpu.async_copy(bkeep.at[h0], okeep.at[rank_v0], sem),
            pltpu.async_copy(bkeep.at[h1], okeep.at[rank_v1], sem),
        ]
        for cp_ in cps:
            cp_.wait()

    return k(rank, probs, isf, kbrep, bxr, byr, bwr, bhr, clsr)


def kernel(prediction):
    cp = jnp.pad(prediction[: CELLS * C].reshape(CELLS, C), ((0, 0), (0, 128 - C)))
    conf = jnp.pad(prediction[CELLS * C: CELLS * (C + B)].reshape(CELLS, B),
                   ((0, 0), (0, 128 - B)))
    bxs = jnp.pad(prediction[CELLS * (C + B):].reshape(CELLS, 4 * B),
                  ((0, 0), (0, 128 - 4 * B)))

    keyarr, isf, geom, ints = _b1(cp, conf, bxs)

    key_flat = jnp.swapaxes(keyarr[:, :, :C], 0, 1).reshape(M)
    probs = jax.lax.bitcast_convert_type(key_flat, jnp.float32)
    isf_flat = jnp.swapaxes(isf[:, :, :C], 0, 1).reshape(M)
    key_pad = jnp.pad(key_flat, (0, MP - M))
    keys = key_pad.reshape(NR, 128)
    rank = _rank(keys, keys.reshape(NR, 128, 1)).reshape(MP)

    def boxflat(a):
        return jnp.swapaxes(a, 0, 1).reshape(G)

    maxp = boxflat(geom[:, :, 4])
    bx4 = [boxflat(geom[:, :, c]) for c in range(4)]
    clsb = boxflat(ints[:, :, 1])
    candidx = boxflat(ints[:, :, 2])

    mk = jnp.pad(jax.lax.bitcast_convert_type(maxp, jnp.uint32), (0, GP - G))
    ci = jnp.pad(candidx, (0, GP - G), constant_values=1 << 30)
    g8 = jnp.zeros((8, GP), jnp.float32)
    for c in range(4):
        g8 = g8.at[c, :G].set(bx4[c])
    g8 = g8.at[4, :G].set(maxp)

    keepbox = _b2(mk.reshape(GP, 1), mk.reshape(1, GP),
                  ci.reshape(GP, 1), ci.reshape(1, GP), g8)[0]

    def rep20(a):
        return jnp.pad(jnp.broadcast_to(a[:G, None], (G, C)).reshape(M),
                       (0, MP - M))

    probs_pad = jnp.pad(probs, (0, MP - M))
    isf_pad = jnp.pad(isf_flat, (0, MP - M))
    obx, oby, obw, obh, op, ocls, okeep = _scatter_sc(
        rank, probs_pad, isf_pad, rep20(keepbox),
        rep20(bx4[0]), rep20(bx4[1]), rep20(bx4[2]), rep20(bx4[3]),
        rep20(clsb))
    boxes_s = jnp.stack([obx[:M], oby[:M], obw[:M], obh[:M]], axis=-1)
    return boxes_s, op[:M], ocls[:M], okeep[:M].astype(bool)

# --- scband reference (transcript-rebuilt; emitter-appended) ---
"""Pipeline reference for scband-yolo-detector-33612414058580 (READ-ONLY COPY).

The authoritative reference and input builder live on the scoring server;
editing this copy changes nothing except your own understanding.
"""

import jax, jax.numpy as jnp
import numpy as np

S = 14
B = 2
C = 20
W = 448.0
H = 448.0
THRESHOLD = 8e-25
IOU_THRESHOLD = 0.1
L = S * S * C + S * S * B + S * S * B * 4


def setup_inputs(seed: int = 0) -> dict:
    key = jax.random.key(seed)
    prediction = jax.random.normal(key, (L,), dtype=jnp.float32)
    return {"prediction": prediction}


def _iou_matrix(boxes):
    # boxes: [M, 4] in center format (x, y, w, h), same math as the reference iou
    x = boxes[:, 0]
    y = boxes[:, 1]
    w = boxes[:, 2]
    h = boxes[:, 3]
    tb = jnp.minimum(x[:, None] + 0.5 * w[:, None], x[None, :] + 0.5 * w[None, :]) - \
         jnp.maximum(x[:, None] - 0.5 * w[:, None], x[None, :] - 0.5 * w[None, :])
    lr = jnp.minimum(y[:, None] + 0.5 * h[:, None], y[None, :] + 0.5 * h[None, :]) - \
         jnp.maximum(y[:, None] - 0.5 * h[:, None], y[None, :] - 0.5 * h[None, :])
    inter = jnp.where((tb < 0.0) | (lr < 0.0), 0.0, tb * lr)
    area = w * h
    union = area[:, None] + area[None, :] - inter
    return inter / jnp.maximum(union, 1e-12)


def _decode_nms(prediction):
    # traDim (mode=3)
    classProb = prediction[: S * S * C].reshape(S, S, C)
    confidence = prediction[S * S * C : S * S * (C + B)].reshape(S, S, B)
    boxes = prediction[S * S * (C + B) :].reshape(S, S, B, 4)
    # grid offsets: offset[s1, s2, b] = s2 ; transposed offset[s1, s2, b] = s1
    off = jnp.broadcast_to(jnp.arange(S, dtype=prediction.dtype)[None, :, None], (S, S, B))
    offT = jnp.broadcast_to(jnp.arange(S, dtype=prediction.dtype)[:, None, None], (S, S, B))
    bx = (boxes[..., 0] + offT) / float(S) * W
    by = (boxes[..., 1] + off) / float(S) * H
    bw = jnp.square(boxes[..., 2]) * W
    bh = jnp.square(boxes[..., 3]) * H
    boxes_dec = jnp.stack([bx, by, bw, bh], axis=-1)  # (S, S, B, 4)
    # eProbs[s1, s2, i, j] = classProb[s1, s2, j] * confidence[s1, s2, i]
    eProbs = confidence[..., :, None] * classProb[..., None, :]  # (S, S, B, C)
    mask4 = eProbs >= THRESHOLD
    # fixed-size analogue of nonzero-filtering: non-passing entries get prob 0
    probs_flat = jnp.where(mask4, eProbs, 0.0).reshape(-1)  # (M,)
    boxes_rep = jnp.broadcast_to(boxes_dec[..., None, :], (S, S, B, C, 4)).reshape(-1, 4)
    cls_rep = jnp.broadcast_to(jnp.argmax(mask4, axis=3)[..., None], (S, S, B, C)).reshape(-1)
    # descending sort by prob
    order = jnp.argsort(-probs_flat)
    boxes_s = boxes_rep[order]
    probs_s = probs_flat[order]
    cls_s = cls_rep[order]
    # greedy NMS: sequential suppression over sorted candidates
    iou_mat = _iou_matrix(boxes_s)
    M = probs_s.shape[0]
    idx = jnp.arange(M)

    def step(probs, i):
        alive = probs[i] != 0.0
        sup = (iou_mat[i] > IOU_THRESHOLD) & (idx > i) & alive
        return jnp.where(sup, 0.0, probs), None

    probs_final, _ = jax.lax.scan(step, probs_s, idx)
    keep = probs_final > 0.0
    return boxes_s, probs_final, cls_s, keep


def reference(prediction):
    boxes_s, probs_final, cls_s, keep = _decode_nms(prediction)
    return boxes_s, probs_final, cls_s, keep

if __name__ == "__main__":
    import jax
    _d = setup_inputs()
    print(jax.jit(kernel)(*tuple(_d.values())))

</pallas_src>

<mosaic_0001>
#map = affine_map<(d0, d1) -> (0)>
module attributes {stable_mosaic.version = 14 : i64} {
  func.func @k(%arg0: i32, %arg1: i32, %arg2: memref<8192xi32, #tpu.memory_space<hbm>>, %arg3: memref<8192xf32, #tpu.memory_space<hbm>>, %arg4: memref<8192xf32, #tpu.memory_space<hbm>>, %arg5: memref<8192xf32, #tpu.memory_space<hbm>>, %arg6: memref<8192xf32, #tpu.memory_space<hbm>>, %arg7: memref<8192xf32, #tpu.memory_space<hbm>>, %arg8: memref<8192xf32, #tpu.memory_space<hbm>>, %arg9: memref<8192xf32, #tpu.memory_space<hbm>>, %arg10: memref<8192xi32, #tpu.memory_space<hbm>>, %arg11: memref<8192xf32, #tpu.memory_space<hbm>>, %arg12: memref<8192xf32, #tpu.memory_space<hbm>>, %arg13: memref<8192xf32, #tpu.memory_space<hbm>>, %arg14: memref<8192xf32, #tpu.memory_space<hbm>>, %arg15: memref<8192xf32, #tpu.memory_space<hbm>>, %arg16: memref<8192xi32, #tpu.memory_space<hbm>>, %arg17: memref<8192xf32, #tpu.memory_space<hbm>>, %arg18: memref<128xi32, #tpu.memory_space<vmem>>, %arg19: memref<128xi32, #tpu.memory_space<vmem>>, %arg20: memref<256xf32, #tpu.memory_space<vmem>>, %arg21: memref<256xf32, #tpu.memory_space<vmem>>, %arg22: memref<256xf32, #tpu.memory_space<vmem>>, %arg23: memref<256xf32, #tpu.memory_space<vmem>>, %arg24: memref<256xf32, #tpu.memory_space<vmem>>, %arg25: memref<256xf32, #tpu.memory_space<vmem>>, %arg26: memref<256xf32, #tpu.memory_space<vmem>>, %arg27: memref<256xi32, #tpu.memory_space<vmem>>, %arg28: memref<256xf32, #tpu.memory_space<vmem>>, %arg29: memref<256xf32, #tpu.memory_space<vmem>>, %arg30: memref<!tpu.dma_semaphore, #tpu.memory_space<semaphore_mem>>) attributes {dimension_semantics = [#tpu.dimension_semantics<core_parallel>, #tpu.dimension_semantics<subcore_parallel>], iteration_bounds = array<i64: 2, 16>, scalar_prefetch = 0 : i64, scratch_operands = 13 : i64, tpu.core_type = #tpu.core_type<sc_vector_subcore>, window_params = [{transform_indices = #map}, {transform_indices = #map}, {transform_indices = #map}, {transform_indices = #map}, {transform_indices = #map}, {transform_indices = #map}, {transform_indices = #map}, {transform_indices = #map}, {transform_indices = #map}, {transform_indices = #map}, {transform_indices = #map}, {transform_indices = #map}, {transform_indices = #map}, {transform_indices = #map}, {transform_indices = #map}, {transform_indices = #map}]} {
    %mul3A = arith.constant 2 : i32
    %mul3A_0 = arith.muli %arg1, %mul3A : i32
    %add3A = arith.addi %mul3A_0, %arg0 : i32
    %mul3A_1 = arith.constant 256 : i32
    %mul3A_2 = arith.muli %add3A, %mul3A_1 : i32
    "tpu.region"() ({
      %run_scoped3A = tpu.sem_alloc : memref<!tpu.dma_semaphore, #tpu.memory_space<semaphore_mem>>
      %dma_start3A_624 = tpu.memref_slice %arg2[%mul3A_2] : memref<8192xi32, #tpu.memory_space<hbm>> -> memref<128xi32, #tpu.memory_space<hbm>>
      %dma_start3A_625 = tpu.memref_slice %arg2[%mul3A_2] : memref<8192xi32, #tpu.memory_space<hbm>> -> memref<128xi32, #tpu.memory_space<hbm>>
      tpu.enqueue_dma source(%dma_start3A_625 : memref<128xi32, #tpu.memory_space<hbm>>) target(%arg18 : memref<128xi32, #tpu.memory_space<vmem>>) target_semaphore(%run_scoped3A : memref<!tpu.dma_semaphore, #tpu.memory_space<semaphore_mem>>)
      %dma_wait3A_626 = tpu.memref_slice %arg2[%mul3A_2] : memref<8192xi32, #tpu.memory_space<hbm>> -> memref<128xi32, #tpu.memory_space<hbm>>
      %dma_wait3A_627 = tpu.memref_slice %arg2[%mul3A_2] : memref<8192xi32, #tpu.memory_space<hbm>> -> memref<128xi32, #tpu.memory_space<hbm>>
      tpu.wait_dma2 semaphore(%run_scoped3A : memref<!tpu.dma_semaphore, #tpu.memory_space<semaphore_mem>>) src(%dma_wait3A_627 : memref<128xi32, #tpu.memory_space<hbm>>) dst(%arg18 : memref<128xi32, #tpu.memory_space<vmem>>)
      tpu.yield
    }) : () -> ()
    %add3A_3 = arith.constant 128 : i32
    %add3A_4 = arith.addi %mul3A_2, %add3A_3 : i32
    "tpu.region"() ({
      %run_scoped3A = tpu.sem_alloc : memref<!tpu.dma_semaphore, #tpu.memory_space<semaphore_mem>>
      %dma_start3A_624 = tpu.memref_slice %arg2[%add3A_4] : memref<8192xi32, #tpu.memory_space<hbm>> -> memref<128xi32, #tpu.memory_space<hbm>>
      %dma_start3A_625 = tpu.memref_slice %arg2[%add3A_4] : memref<8192xi32, #tpu.memory_space<hbm>> -> memref<128xi32, #tpu.memory_space<hbm>>
      tpu.enqueue_dma source(%dma_start3A_625 : memref<128xi32, #tpu.memory_space<hbm>>) target(%arg19 : memref<128xi32, #tpu.memory_space<vmem>>) target_semaphore(%run_scoped3A : memref<!tpu.dma_semaphore, #tpu.memory_space<semaphore_mem>>)
      %dma_wait3A_626 = tpu.memref_slice %arg2[%add3A_4] : memref<8192xi32, #tpu.memory_space<hbm>> -> memref<128xi32, #tpu.memory_space<hbm>>
      %dma_wait3A_627 = tpu.memref_slice %arg2[%add3A_4] : memref<8192xi32, #tpu.memory_space<hbm>> -> memref<128xi32, #tpu.memory_space<hbm>>
      tpu.wait_dma2 semaphore(%run_scoped3A : memref<!tpu.dma_semaphore, #tpu.memory_space<semaphore_mem>>) src(%dma_wait3A_627 : memref<128xi32, #tpu.memory_space<hbm>>) dst(%arg19 : memref<128xi32, #tpu.memory_space<vmem>>)
      tpu.yield
    }) : () -> ()
    "tpu.region"() ({
      %run_scoped3A = tpu.sem_alloc : memref<!tpu.dma_semaphore, #tpu.memory_space<semaphore_mem>>
      %dma_start3A_624 = tpu.memref_slice %arg3[%mul3A_2] : memref<8192xf32, #tpu.memory_space<hbm>> -> memref<256xf32, #tpu.memory_space<hbm>>
      %dma_start3A_625 = tpu.memref_slice %arg3[%mul3A_2] : memref<8192xf32, #tpu.memory_space<hbm>> -> memref<256xf32, #tpu.memory_space<hbm>>
      tpu.enqueue_dma source(%dma_start3A_625 : memref<256xf32, #tpu.memory_space<hbm>>) target(%arg20 : memref<256xf32, #tpu.memory_space<vmem>>) target_semaphore(%run_scoped3A : memref<!tpu.dma_semaphore, #tpu.memory_space<semaphore_mem>>)
      %dma_wait3A_626 = tpu.memref_slice %arg3[%mul3A_2] : memref<8192xf32, #tpu.memory_space<hbm>> -> memref<256xf32, #tpu.memory_space<hbm>>
      %dma_wait3A_627 = tpu.memref_slice %arg3[%mul3A_2] : memref<8192xf32, #tpu.memory_space<hbm>> -> memref<256xf32, #tpu.memory_space<hbm>>
      tpu.wait_dma2 semaphore(%run_scoped3A : memref<!tpu.dma_semaphore, #tpu.memory_space<semaphore_mem>>) src(%dma_wait3A_627 : memref<256xf32, #tpu.memory_space<hbm>>) dst(%arg20 : memref<256xf32, #tpu.memory_space<vmem>>)
      tpu.yield
    }) : () -> ()
    "tpu.region"() ({
      %run_scoped3A = tpu.sem_alloc : memref<!tpu.dma_semaphore, #tpu.memory_space<semaphore_mem>>
      %dma_start3A_624 = tpu.memref_slice %arg4[%mul3A_2] : memref<8192xf32, #tpu.memory_space<hbm>> -> memref<256xf32, #tpu.memory_space<hbm>>
      %dma_start3A_625 = tpu.memref_slice %arg4[%mul3A_2] : memref<8192xf32, #tpu.memory_space<hbm>> -> memref<256xf32, #tpu.memory_space<hbm>>
      tpu.enqueue_dma source(%dma_start3A_625 : memref<256xf32, #tpu.memory_space<hbm>>) target(%arg21 : memref<256xf32, #tpu.memory_space<vmem>>) target_semaphore(%run_scoped3A : memref<!tpu.dma_semaphore, #tpu.memory_space<semaphore_mem>>)
      %dma_wait3A_626 = tpu.memref_slice %arg4[%mul3A_2] : memref<8192xf32, #tpu.memory_space<hbm>> -> memref<256xf32, #tpu.memory_space<hbm>>
      %dma_wait3A_627 = tpu.memref_slice %arg4[%mul3A_2] : memref<8192xf32, #tpu.memory_space<hbm>> -> memref<256xf32, #tpu.memory_space<hbm>>
      tpu.wait_dma2 semaphore(%run_scoped3A : memref<!tpu.dma_semaphore, #tpu.memory_space<semaphore_mem>>) src(%dma_wait3A_627 : memref<256xf32, #tpu.memory_space<hbm>>) dst(%arg21 : memref<256xf32, #tpu.memory_space<vmem>>)
      tpu.yield
    }) : () -> ()
    "tpu.region"() ({
      %run_scoped3A = tpu.sem_alloc : memref<!tpu.dma_semaphore, #tpu.memory_space<semaphore_mem>>
      %dma_start3A_624 = tpu.memref_slice %arg5[%mul3A_2] : memref<8192xf32, #tpu.memory_space<hbm>> -> memref<256xf32, #tpu.memory_space<hbm>>
      %dma_start3A_625 = tpu.memref_slice %arg5[%mul3A_2] : memref<8192xf32, #tpu.memory_space<hbm>> -> memref<256xf32, #tpu.memory_space<hbm>>
      tpu.enqueue_dma source(%dma_start3A_625 : memref<256xf32, #tpu.memory_space<hbm>>) target(%arg22 : memref<256xf32, #tpu.memory_space<vmem>>) target_semaphore(%run_scoped3A : memref<!tpu.dma_semaphore, #tpu.memory_space<semaphore_mem>>)
      %dma_wait3A_626 = tpu.memref_slice %arg5[%mul3A_2] : memref<8192xf32, #tpu.memory_space<hbm>> -> memref<256xf32, #tpu.memory_space<hbm>>
      %dma_wait3A_627 = tpu.memref_slice %arg5[%mul3A_2] : memref<8192xf32, #tpu.memory_space<hbm>> -> memref<256xf32, #tpu.memory_space<hbm>>
      tpu.wait_dma2 semaphore(%run_scoped3A : memref<!tpu.dma_semaphore, #tpu.memory_space<semaphore_mem>>) src(%dma_wait3A_627 : memref<256xf32, #tpu.memory_space<hbm>>) dst(%arg22 : memref<256xf32, #tpu.memory_space<vmem>>)
      tpu.yield
    }) : () -> ()
    "tpu.region"() ({
      %run_scoped3A = tpu.sem_alloc : memref<!tpu.dma_semaphore, #tpu.memory_space<semaphore_mem>>
      %dma_start3A_624 = tpu.memref_slice %arg6[%mul3A_2] : memref<8192xf32, #tpu.memory_space<hbm>> -> memref<256xf32, #tpu.memory_space<hbm>>
      %dma_start3A_625 = tpu.memref_slice %arg6[%mul3A_2] : memref<8192xf32, #tpu.memory_space<hbm>> -> memref<256xf32, #tpu.memory_space<hbm>>
      tpu.enqueue_dma source(%dma_start3A_625 : memref<256xf32, #tpu.memory_space<hbm>>) target(%arg23 : memref<256xf32, #tpu.memory_space<vmem>>) target_semaphore(%run_scoped3A : memref<!tpu.dma_semaphore, #tpu.memory_space<semaphore_mem>>)
      %dma_wait3A_626 = tpu.memref_slice %arg6[%mul3A_2] : memref<8192xf32, #tpu.memory_space<hbm>> -> memref<256xf32, #tpu.memory_space<hbm>>
      %dma_wait3A_627 = tpu.memref_slice %arg6[%mul3A_2] : memref<8192xf32, #tpu.memory_space<hbm>> -> memref<256xf32, #tpu.memory_space<hbm>>
      tpu.wait_dma2 semaphore(%run_scoped3A : memref<!tpu.dma_semaphore, #tpu.memory_space<semaphore_mem>>) src(%dma_wait3A_627 : memref<256xf32, #tpu.memory_space<hbm>>) dst(%arg23 : memref<256xf32, #tpu.memory_space<vmem>>)
      tpu.yield
    }) : () -> ()
    "tpu.region"() ({
      %run_scoped3A = tpu.sem_alloc : memref<!tpu.dma_semaphore, #tpu.memory_space<semaphore_mem>>
      %dma_start3A_624 = tpu.memref_slice %arg7[%mul3A_2] : memref<8192xf32, #tpu.memory_space<hbm>> -> memref<256xf32, #tpu.memory_space<hbm>>
      %dma_start3A_625 = tpu.memref_slice %arg7[%mul3A_2] : memref<8192xf32, #tpu.memory_space<hbm>> -> memref<256xf32, #tpu.memory_space<hbm>>
      tpu.enqueue_dma source(%dma_start3A_625 : memref<256xf32, #tpu.memory_space<hbm>>) target(%arg24 : memref<256xf32, #tpu.memory_space<vmem>>) target_semaphore(%run_scoped3A : memref<!tpu.dma_semaphore, #tpu.memory_space<semaphore_mem>>)
      %dma_wait3A_626 = tpu.memref_slice %arg7[%mul3A_2] : memref<8192xf32, #tpu.memory_space<hbm>> -> memref<256xf32, #tpu.memory_space<hbm>>
      %dma_wait3A_627 = tpu.memref_slice %arg7[%mul3A_2] : memref<8192xf32, #tpu.memory_space<hbm>> -> memref<256xf32, #tpu.memory_space<hbm>>
      tpu.wait_dma2 semaphore(%run_scoped3A : memref<!tpu.dma_semaphore, #tpu.memory_space<semaphore_mem>>) src(%dma_wait3A_627 : memref<256xf32, #tpu.memory_space<hbm>>) dst(%arg24 : memref<256xf32, #tpu.memory_space<vmem>>)
      tpu.yield
    }) : () -> ()
    "tpu.region"() ({
      %run_scoped3A = tpu.sem_alloc : memref<!tpu.dma_semaphore, #tpu.memory_space<semaphore_mem>>
      %dma_start3A_624 = tpu.memref_slice %arg8[%mul3A_2] : memref<8192xf32, #tpu.memory_space<hbm>> -> memref<256xf32, #tpu.memory_space<hbm>>
      %dma_start3A_625 = tpu.memref_slice %arg8[%mul3A_2] : memref<8192xf32, #tpu.memory_space<hbm>> -> memref<256xf32, #tpu.memory_space<hbm>>
      tpu.enqueue_dma source(%dma_start3A_625 : memref<256xf32, #tpu.memory_space<hbm>>) target(%arg25 : memref<256xf32, #tpu.memory_space<vmem>>) target_semaphore(%run_scoped3A : memref<!tpu.dma_semaphore, #tpu.memory_space<semaphore_mem>>)
      %dma_wait3A_626 = tpu.memref_slice %arg8[%mul3A_2] : memref<8192xf32, #tpu.memory_space<hbm>> -> memref<256xf32, #tpu.memory_space<hbm>>
      %dma_wait3A_627 = tpu.memref_slice %arg8[%mul3A_2] : memref<8192xf32, #tpu.memory_space<hbm>> -> memref<256xf32, #tpu.memory_space<hbm>>
      tpu.wait_dma2 semaphore(%run_scoped3A : memref<!tpu.dma_semaphore, #tpu.memory_space<semaphore_mem>>) src(%dma_wait3A_627 : memref<256xf32, #tpu.memory_space<hbm>>) dst(%arg25 : memref<256xf32, #tpu.memory_space<vmem>>)
      tpu.yield
    }) : () -> ()
    "tpu.region"() ({
      %run_scoped3A = tpu.sem_alloc : memref<!tpu.dma_semaphore, #tpu.memory_space<semaphore_mem>>
      %dma_start3A_624 = tpu.memref_slice %arg9[%mul3A_2] : memref<8192xf32, #tpu.memory_space<hbm>> -> memref<256xf32, #tpu.memory_space<hbm>>
      %dma_start3A_625 = tpu.memref_slice %arg9[%mul3A_2] : memref<8192xf32, #tpu.memory_space<hbm>> -> memref<256xf32, #tpu.memory_space<hbm>>
      tpu.enqueue_dma source(%dma_start3A_625 : memref<256xf32, #tpu.memory_space<hbm>>) target(%arg26 : memref<256xf32, #tpu.memory_space<vmem>>) target_semaphore(%run_scoped3A : memref<!tpu.dma_semaphore, #tpu.memory_space<semaphore_mem>>)
      %dma_wait3A_626 = tpu.memref_slice %arg9[%mul3A_2] : memref<8192xf32, #tpu.memory_space<hbm>> -> memref<256xf32, #tpu.memory_space<hbm>>
      %dma_wait3A_627 = tpu.memref_slice %arg9[%mul3A_2] : memref<8192xf32, #tpu.memory_space<hbm>> -> memref<256xf32, #tpu.memory_space<hbm>>
      tpu.wait_dma2 semaphore(%run_scoped3A : memref<!tpu.dma_semaphore, #tpu.memory_space<semaphore_mem>>) src(%dma_wait3A_627 : memref<256xf32, #tpu.memory_space<hbm>>) dst(%arg26 : memref<256xf32, #tpu.memory_space<vmem>>)
      tpu.yield
    }) : () -> ()
    "tpu.region"() ({
      %run_scoped3A = tpu.sem_alloc : memref<!tpu.dma_semaphore, #tpu.memory_space<semaphore_mem>>
      %dma_start3A_624 = tpu.memref_slice %arg10[%mul3A_2] : memref<8192xi32, #tpu.memory_space<hbm>> -> memref<256xi32, #tpu.memory_space<hbm>>
      %dma_start3A_625 = tpu.memref_slice %arg10[%mul3A_2] : memref<8192xi32, #tpu.memory_space<hbm>> -> memref<256xi32, #tpu.memory_space<hbm>>
      tpu.enqueue_dma source(%dma_start3A_625 : memref<256xi32, #tpu.memory_space<hbm>>) target(%arg27 : memref<256xi32, #tpu.memory_space<vmem>>) target_semaphore(%run_scoped3A : memref<!tpu.dma_semaphore, #tpu.memory_space<semaphore_mem>>)
      %dma_wait3A_626 = tpu.memref_slice %arg10[%mul3A_2] : memref<8192xi32, #tpu.memory_space<hbm>> -> memref<256xi32, #tpu.memory_space<hbm>>
      %dma_wait3A_627 = tpu.memref_slice %arg10[%mul3A_2] : memref<8192xi32, #tpu.memory_space<hbm>> -> memref<256xi32, #tpu.memory_space<hbm>>
      tpu.wait_dma2 semaphore(%run_scoped3A : memref<!tpu.dma_semaphore, #tpu.memory_space<semaphore_mem>>) src(%dma_wait3A_627 : memref<256xi32, #tpu.memory_space<hbm>>) dst(%arg27 : memref<256xi32, #tpu.memory_space<vmem>>)
      tpu.yield
    }) : () -> ()
    %get3A = arith.constant 0 : index
    %get3A_5 = tpu.vector_load %arg20[%get3A] {strides = array<i32>} : memref<256xf32, #tpu.memory_space<vmem>>, vector<16xf32>,
    %get3A_6 = vector.shape_cast %get3A_5 : vector<16xf32> to vector<16xf32>
    %get3A_7 = arith.constant 0 : index
    %get3A_8 = tpu.vector_load %arg21[%get3A_7] {strides = array<i32>} : memref<256xf32, #tpu.memory_space<vmem>>, vector<16xf32>,
    %get3A_9 = vector.shape_cast %get3A_8 : vector<16xf32> to vector<16xf32>
    %mul3A_10 = arith.mulf %get3A_6, %get3A_9 : vector<16xf32>
    %get3A_11 = arith.constant 0 : index
    %get3A_12 = tpu.vector_load %arg22[%get3A_11] {strides = array<i32>} : memref<256xf32, #tpu.memory_space<vmem>>, vector<16xf32>,
    %get3A_13 = vector.shape_cast %get3A_12 : vector<16xf32> to vector<16xf32>
    %mul3A_14 = arith.mulf %mul3A_10, %get3A_13 : vector<16xf32>
    %swap3A = arith.constant 0 : index
    %swap3A_15 = tpu.vector_load %arg28[%swap3A] {strides = array<i32>} : memref<256xf32, #tpu.memory_space<vmem>>, vector<16xf32>,
    %swap3A_16 = vector.shape_cast %swap3A_15 : vector<16xf32> to vector<16xf32>
    %swap3A_17 = vector.shape_cast %mul3A_14 : vector<16xf32> to vector<16xf32>
    tpu.vector_store %arg28[%swap3A], %swap3A_17 {strides = array<i32>} : memref<256xf32, #tpu.memory_space<vmem>>, vector<16xf32>,
    %sign3A = tpu.bitcast %mul3A_14 : vector<16xf32> -> vector<16xi32>
    %sign3A_18 = arith.constant -2147483648 : i32
    %sign3A_19 = vector.broadcast %sign3A_18 : i32 to vector<16xi32>
    %sign3A_20 = arith.andi %sign3A, %sign3A_19 : vector<16xi32>
    %sign3A_21 = arith.constant 1065353216 : i32
    %sign3A_22 = vector.broadcast %sign3A_21 : i32 to vector<16xi32>
    %sign3A_23 = arith.ori %sign3A_22, %sign3A_20 : vector<16xi32>
    %sign3A_24 = tpu.bitcast %sign3A_23 : vector<16xi32> -> vector<16xf32>
    %sign3A_25 = math.absf %mul3A_14 : vector<16xf32>
    %sign3A_26 = arith.constant 0.000000e+00 : f32
    %sign3A_27 = vector.broadcast %sign3A_26 : f32 to vector<16xf32>
    %sign3A_28 = arith.cmpf ogt, %sign3A_25, %sign3A_27 : vector<16xf32>
    %sign3A_29 = arith.select %sign3A_28, %sign3A_24, %mul3A_14 : vector<16xi1>, vector<16xf32>
    %swap3A_30 = arith.constant 0 : index
    %swap3A_31 = tpu.vector_load %arg29[%swap3A_30] {strides = array<i32>} : memref<256xf32, #tpu.memory_space<vmem>>, vector<16xf32>,
    %swap3A_32 = vector.shape_cast %swap3A_31 : vector<16xf32> to vector<16xf32>
    %swap3A_33 = vector.shape_cast %sign3A_29 : vector<16xf32> to vector<16xf32>
    tpu.vector_store %arg29[%swap3A_30], %swap3A_33 {strides = array<i32>} : memref<256xf32, #tpu.memory_space<vmem>>, vector<16xf32>,
    %get3A_34 = arith.constant 16 : index
    %get3A_35 = tpu.vector_load %arg20[%get3A_34] {strides = array<i32>} : memref<256xf32, #tpu.memory_space<vmem>>, vector<16xf32>,
    %get3A_36 = vector.shape_cast %get3A_35 : vector<16xf32> to vector<16xf32>
    %get3A_37 = arith.constant 16 : index
    %get3A_38 = tpu.vector_load %arg21[%get3A_37] {strides = array<i32>} : memref<256xf32, #tpu.memory_space<vmem>>, vector<16xf32>,
    %get3A_39 = vector.shape_cast %get3A_38 : vector<16xf32> to vector<16xf32>
    %mul3A_40 = arith.mulf %get3A_36, %get3A_39 : vector<16xf32>
    %get3A_41 = arith.constant 16 : index
    %get3A_42 = tpu.vector_load %arg22[%get3A_41] {strides = array<i32>} : memref<256xf32, #tpu.memory_space<vmem>>, vector<16xf32>,
    %get3A_43 = vector.shape_cast %get3A_42 : vector<16xf32> to vector<16xf32>
    %mul3A_44 = arith.mulf %mul3A_40, %get3A_43 : vector<16xf32>
    %swap3A_45 = arith.constant 16 : index
    %swap3A_46 = tpu.vector_load %arg28[%swap3A_45] {strides = array<i32>} : memref<256xf32, #tpu.memory_space<vmem>>, vector<16xf32>,
    %swap3A_47 = vector.shape_cast %swap3A_46 : vector<16xf32> to vector<16xf32>
    %swap3A_48 = vector.shape_cast %mul3A_44 : vector<16xf32> to vector<16xf32>
    tpu.vector_store %arg28[%swap3A_45], %swap3A_48 {strides = array<i32>} : memref<256xf32, #tpu.memory_space<vmem>>, vector<16xf32>,
    %sign3A_49 = tpu.bitcast %mul3A_44 : vector<16xf32> -> vector<16xi32>
    %sign3A_50 = arith.constant -2147483648 : i32
    %sign3A_51 = vector.broadcast %sign3A_50 : i32 to vector<16xi32>
    %sign3A_52 = arith.andi %sign3A_49, %sign3A_51 : vector<16xi32>
    %sign3A_53 = arith.constant 1065353216 : i32
    %sign3A_54 = vector.broadcast %sign3A_53 : i32 to vector<16xi32>
    %sign3A_55 = arith.ori %sign3A_54, %sign3A_52 : vector<16xi32>
    %sign3A_56 = tpu.bitcast %sign3A_55 : vector<16xi32> -> vector<16xf32>
    %sign3A_57 = math.absf %mul3A_44 : vector<16xf32>
    %sign3A_58 = arith.constant 0.000000e+00 : f32
    %sign3A_59 = vector.broadcast %sign3A_58 : f32 to vector<16xf32>
    %sign3A_60 = arith.cmpf ogt, %sign3A_57, %sign3A_59 : vector<16xf32>
    %sign3A_61 = arith.select %sign3A_60, %sign3A_56, %mul3A_44 : vector<16xi1>, vector<16xf32>
    %swap3A_62 = arith.constant 16 : index
    %swap3A_63 = tpu.vector_load %arg29[%swap3A_62] {strides = array<i32>} : memref<256xf32, #tpu.memory_space<vmem>>, vector<16xf32>,
    %swap3A_64 = vector.shape_cast %swap3A_63 : vector<16xf32> to vector<16xf32>
    %swap3A_65 = vector.shape_cast %sign3A_61 : vector<16xf32> to vector<16xf32>
    tpu.vector_store %arg29[%swap3A_62], %swap3A_65 {strides = array<i32>} : memref<256xf32, #tpu.memory_space<vmem>>, vector<16xf32>,
    %get3A_66 = arith.constant 32 : index
    %get3A_67 = tpu.vector_load %arg20[%get3A_66] {strides = array<i32>} : memref<256xf32, #tpu.memory_space<vmem>>, vector<16xf32>,
    %get3A_68 = vector.shape_cast %get3A_67 : vector<16xf32> to vector<16xf32>
    %get3A_69 = arith.constant 32 : index
    %get3A_70 = tpu.vector_load %arg21[%get3A_69] {strides = array<i32>} : memref<256xf32, #tpu.memory_space<vmem>>, vector<16xf32>,
    %get3A_71 = vector.shape_cast %get3A_70 : vector<16xf32> to vector<16xf32>
    %mul3A_72 = arith.mulf %get3A_68, %get3A_71 : vector<16xf32>
    %get3A_73 = arith.constant 32 : index
    %get3A_74 = tpu.vector_load %arg22[%get3A_73] {strides = array<i32>} : memref<256xf32, #tpu.memory_space<vmem>>, vector<16xf32>,
    %get3A_75 = vector.shape_cast %get3A_74 : vector<16xf32> to vector<16xf32>
    %mul3A_76 = arith.mulf %mul3A_72, %get3A_75 : vector<16xf32>
    %swap3A_77 = arith.constant 32 : index
    %swap3A_78 = tpu.vector_load %arg28[%swap3A_77] {strides = array<i32>} : memref<256xf32, #tpu.memory_space<vmem>>, vector<16xf32>,
    %swap3A_79 = vector.shape_cast %swap3A_78 : vector<16xf32> to vector<16xf32>
    %swap3A_80 = vector.shape_cast %mul3A_76 : vector<16xf32> to vector<16xf32>
    tpu.vector_store %arg28[%swap3A_77], %swap3A_80 {strides = array<i32>} : memref<256xf32, #tpu.memory_space<vmem>>, vector<16xf32>,
    %sign3A_81 = tpu.bitcast %mul3A_76 : vector<16xf32> -> vector<16xi32>
    %sign3A_82 = arith.constant -2147483648 : i32
    %sign3A_83 = vector.broadcast %sign3A_82 : i32 to vector<16xi32>
    %sign3A_84 = arith.andi %sign3A_81, %sign3A_83 : vector<16xi32>
    %sign3A_85 = arith.constant 1065353216 : i32
    %sign3A_86 = vector.broadcast %sign3A_85 : i32 to vector<16xi32>
    %sign3A_87 = arith.ori %sign3A_86, %sign3A_84 : vector<16xi32>
    %sign3A_88 = tpu.bitcast %sign3A_87 : vector<16xi32> -> vector<16xf32>
    %sign3A_89 = math.absf %mul3A_76 : vector<16xf32>
    %sign3A_90 = arith.constant 0.000000e+00 : f32
    %sign3A_91 = vector.broadcast %sign3A_90 : f32 to vector<16xf32>
    %sign3A_92 = arith.cmpf ogt, %sign3A_89, %sign3A_91 : vector<16xf32>
    %sign3A_93 = arith.select %sign3A_92, %sign3A_88, %mul3A_76 : vector<16xi1>, vector<16xf32>
    %swap3A_94 = arith.constant 32 : index
    %swap3A_95 = tpu.vector_load %arg29[%swap3A_94] {strides = array<i32>} : memref<256xf32, #tpu.memory_space<vmem>>, vector<16xf32>,
    %swap3A_96 = vector.shape_cast %swap3A_95 : vector<16xf32> to vector<16xf32>
    %swap3A_97 = vector.shape_cast %sign3A_93 : vector<16xf32> to vector<16xf32>
    tpu.vector_store %arg29[%swap3A_94], %swap3A_97 {strides = array<i32>} : memref<256xf32, #tpu.memory_space<vmem>>, vector<16xf32>,
    %get3A_98 = arith.constant 48 : index
    %get3A_99 = tpu.vector_load %arg20[%get3A_98] {strides = array<i32>} : memref<256xf32, #tpu.memory_space<vmem>>, vector<16xf32>,
    %get3A_100 = vector.shape_cast %get3A_99 : vector<16xf32> to vector<16xf32>
    %get3A_101 = arith.constant 48 : index
    %get3A_102 = tpu.vector_load %arg21[%get3A_101] {strides = array<i32>} : memref<256xf32, #tpu.memory_space<vmem>>, vector<16xf32>,
    %get3A_103 = vector.shape_cast %get3A_102 : vector<16xf32> to vector<16xf32>
    %mul3A_104 = arith.mulf %get3A_100, %get3A_103 : vector<16xf32>
    %get3A_105 = arith.constant 48 : index
    %get3A_106 = tpu.vector_load %arg22[%get3A_105] {strides = array<i32>} : memref<256xf32, #tpu.memory_space<vmem>>, vector<16xf32>,
    %get3A_107 = vector.shape_cast %get3A_106 : vector<16xf32> to vector<16xf32>
    %mul3A_108 = arith.mulf %mul3A_104, %get3A_107 : vector<16xf32>
    %swap3A_109 = arith.constant 48 : index
    %swap3A_110 = tpu.vector_load %arg28[%swap3A_109] {strides = array<i32>} : memref<256xf32, #tpu.memory_space<vmem>>, vector<16xf32>,
    %swap3A_111 = vector.shape_cast %swap3A_110 : vector<16xf32> to vector<16xf32>
    %swap3A_112 = vector.shape_cast %mul3A_108 : vector<16xf32> to vector<16xf32>
    tpu.vector_store %arg28[%swap3A_109], %swap3A_112 {strides = array<i32>} : memref<256xf32, #tpu.memory_space<vmem>>, vector<16xf32>,
    %sign3A_113 = tpu.bitcast %mul3A_108 : vector<16xf32> -> vector<16xi32>
    %sign3A_114 = arith.constant -2147483648 : i32
    %sign3A_115 = vector.broadcast %sign3A_114 : i32 to vector<16xi32>
    %sign3A_116 = arith.andi %sign3A_113, %sign3A_115 : vector<16xi32>
    %sign3A_117 = arith.constant 1065353216 : i32
    %sign3A_118 = vector.broadcast %sign3A_117 : i32 to vector<16xi32>
    %sign3A_119 = arith.ori %sign3A_118, %sign3A_116 : vector<16xi32>
    %sign3A_120 = tpu.bitcast %sign3A_119 : vector<16xi32> -> vector<16xf32>
    %sign3A_121 = math.absf %mul3A_108 : vector<16xf32>
    %sign3A_122 = arith.constant 0.000000e+00 : f32
    %sign3A_123 = vector.broadcast %sign3A_122 : f32 to vector<16xf32>
    %sign3A_124 = arith.cmpf ogt, %sign3A_121, %sign3A_123 : vector<16xf32>
    %sign3A_125 = arith.select %sign3A_124, %sign3A_120, %mul3A_108 : vector<16xi1>, vector<16xf32>
    %swap3A_126 = arith.constant 48 : index
    %swap3A_127 = tpu.vector_load %arg29[%swap3A_126] {strides = array<i32>} : memref<256xf32, #tpu.memory_space<vmem>>, vector<16xf32>,
    %swap3A_128 = vector.shape_cast %swap3A_127 : vector<16xf32> to vector<16xf32>
    %swap3A_129 = vector.shape_cast %sign3A_125 : vector<16xf32> to vector<16xf32>
    tpu.vector_store %arg29[%swap3A_126], %swap3A_129 {strides = array<i32>} : memref<256xf32, #tpu.memory_space<vmem>>, vector<16xf32>,
    %get3A_130 = arith.constant 64 : index
    %get3A_131 = tpu.vector_load %arg20[%get3A_130] {strides = array<i32>} : memref<256xf32, #tpu.memory_space<vmem>>, vector<16xf32>,
    %get3A_132 = vector.shape_cast %get3A_131 : vector<16xf32> to vector<16xf32>
    %get3A_133 = arith.constant 64 : index
    %get3A_134 = tpu.vector_load %arg21[%get3A_133] {strides = array<i32>} : memref<256xf32, #tpu.memory_space<vmem>>, vector<16xf32>,
    %get3A_135 = vector.shape_cast %get3A_134 : vector<16xf32> to vector<16xf32>
    %mul3A_136 = arith.mulf %get3A_132, %get3A_135 : vector<16xf32>
    %get3A_137 = arith.constant 64 : index
    %get3A_138 = tpu.vector_load %arg22[%get3A_137] {strides = array<i32>} : memref<256xf32, #tpu.memory_space<vmem>>, vector<16xf32>,
    %get3A_139 = vector.shape_cast %get3A_138 : vector<16xf32> to vector<16xf32>
    %mul3A_140 = arith.mulf %mul3A_136, %get3A_139 : vector<16xf32>
    %swap3A_141 = arith.constant 64 : index
    %swap3A_142 = tpu.vector_load %arg28[%swap3A_141] {strides = array<i32>} : memref<256xf32, #tpu.memory_space<vmem>>, vector<16xf32>,
    %swap3A_143 = vector.shape_cast %swap3A_142 : vector<16xf32> to vector<16xf32>
    %swap3A_144 = vector.shape_cast %mul3A_140 : vector<16xf32> to vector<16xf32>
    tpu.vector_store %arg28[%swap3A_141], %swap3A_144 {strides = array<i32>} : memref<256xf32, #tpu.memory_space<vmem>>, vector<16xf32>,
    %sign3A_145 = tpu.bitcast %mul3A_140 : vector<16xf32> -> vector<16xi32>
    %sign3A_146 = arith.constant -2147483648 : i32
    %sign3A_147 = vector.broadcast %sign3A_146 : i32 to vector<16xi32>
    %sign3A_148 = arith.andi %sign3A_145, %sign3A_147 : vector<16xi32>
    %sign3A_149 = arith.constant 1065353216 : i32
    %sign3A_150 = vector.broadcast %sign3A_149 : i32 to vector<16xi32>
    %sign3A_151 = arith.ori %sign3A_150, %sign3A_148 : vector<16xi32>
    %sign3A_152 = tpu.bitcast %sign3A_151 : vector<16xi32> -> vector<16xf32>
    %sign3A_153 = math.absf %mul3A_140 : vector<16xf32>
    %sign3A_154 = arith.constant 0.000000e+00 : f32
    %sign3A_155 = vector.broadcast %sign3A_154 : f32 to vector<16xf32>
    %sign3A_156 = arith.cmpf ogt, %sign3A_153, %sign3A_155 : vector<16xf32>
    %sign3A_157 = arith.select %sign3A_156, %sign3A_152, %mul3A_140 : vector<16xi1>, vector<16xf32>
    %swap3A_158 = arith.constant 64 : index
    %swap3A_159 = tpu.vector_load %arg29[%swap3A_158] {strides = array<i32>} : memref<256xf32, #tpu.memory_space<vmem>>, vector<16xf32>,
    %swap3A_160 = vector.shape_cast %swap3A_159 : vector<16xf32> to vector<16xf32>
    %swap3A_161 = vector.shape_cast %sign3A_157 : vector<16xf32> to vector<16xf32>
    tpu.vector_store %arg29[%swap3A_158], %swap3A_161 {strides = array<i32>} : memref<256xf32, #tpu.memory_space<vmem>>, vector<16xf32>,
    %get3A_162 = arith.constant 80 : index
    %get3A_163 = tpu.vector_load %arg20[%get3A_162] {strides = array<i32>} : memref<256xf32, #tpu.memory_space<vmem>>, vector<16xf32>,
    %get3A_164 = vector.shape_cast %get3A_163 : vector<16xf32> to vector<16xf32>
    %get3A_165 = arith.constant 80 : index
    %get3A_166 = tpu.vector_load %arg21[%get3A_165] {strides = array<i32>} : memref<256xf32, #tpu.memory_space<vmem>>, vector<16xf32>,
    %get3A_167 = vector.shape_cast %get3A_166 : vector<16xf32> to vector<16xf32>
    %mul3A_168 = arith.mulf %get3A_164, %get3A_167 : vector<16xf32>
    %get3A_169 = arith.constant 80 : index
    %get3A_170 = tpu.vector_load %arg22[%get3A_169] {strides = array<i32>} : memref<256xf32, #tpu.memory_space<vmem>>, vector<16xf32>,
    %get3A_171 = vector.shape_cast %get3A_170 : vector<16xf32> to vector<16xf32>
    %mul3A_172 = arith.mulf %mul3A_168, %get3A_171 : vector<16xf32>
    %swap3A_173 = arith.constant 80 : index
    %swap3A_174 = tpu.vector_load %arg28[%swap3A_173] {strides = array<i32>} : memref<256xf32, #tpu.memory_space<vmem>>, vector<16xf32>,
    %swap3A_175 = vector.shape_cast %swap3A_174 : vector<16xf32> to vector<16xf32>
    %swap3A_176 = vector.shape_cast %mul3A_172 : vector<16xf32> to vector<16xf32>
    tpu.vector_store %arg28[%swap3A_173], %swap3A_176 {strides = array<i32>} : memref<256xf32, #tpu.memory_space<vmem>>, vector<16xf32>,
    %sign3A_177 = tpu.bitcast %mul3A_172 : vector<16xf32> -> vector<16xi32>
    %sign3A_178 = arith.constant -2147483648 : i32
    %sign3A_179 = vector.broadcast %sign3A_178 : i32 to vector<16xi32>
    %sign3A_180 = arith.andi %sign3A_177, %sign3A_179 : vector<16xi32>
    %sign3A_181 = arith.constant 1065353216 : i32
    %sign3A_182 = vector.broadcast %sign3A_181 : i32 to vector<16xi32>
    %sign3A_183 = arith.ori %sign3A_182, %sign3A_180 : vector<16xi32>
    %sign3A_184 = tpu.bitcast %sign3A_183 : vector<16xi32> -> vector<16xf32>
    %sign3A_185 = math.absf %mul3A_172 : vector<16xf32>
    %sign3A_186 = arith.constant 0.000000e+00 : f32
    %sign3A_187 = vector.broadcast %sign3A_186 : f32 to vector<16xf32>
    %sign3A_188 = arith.cmpf ogt, %sign3A_185, %sign3A_187 : vector<16xf32>
    %sign3A_189 = arith.select %sign3A_188, %sign3A_184, %mul3A_172 : vector<16xi1>, vector<16xf32>
    %swap3A_190 = arith.constant 80 : index
    %swap3A_191 = tpu.vector_load %arg29[%swap3A_190] {strides = array<i32>} : memref<256xf32, #tpu.memory_space<vmem>>, vector<16xf32>,
    %swap3A_192 = vector.shape_cast %swap3A_191 : vector<16xf32> to vector<16xf32>
    %swap3A_193 = vector.shape_cast %sign3A_189 : vector<16xf32> to vector<16xf32>
    tpu.vector_store %arg29[%swap3A_190], %swap3A_193 {strides = array<i32>} : memref<256xf32, #tpu.memory_space<vmem>>, vector<16xf32>,
    %get3A_194 = arith.constant 96 : index
    %get3A_195 = tpu.vector_load %arg20[%get3A_194] {strides = array<i32>} : memref<256xf32, #tpu.memory_space<vmem>>, vector<16xf32>,
    %get3A_196 = vector.shape_cast %get3A_195 : vector<16xf32> to vector<16xf32>
    %get3A_197 = arith.constant 96 : index
    %get3A_198 = tpu.vector_load %arg21[%get3A_197] {strides = array<i32>} : memref<256xf32, #tpu.memory_space<vmem>>, vector<16xf32>,
    %get3A_199 = vector.shape_cast %get3A_198 : vector<16xf32> to vector<16xf32>
    %mul3A_200 = arith.mulf %get3A_196, %get3A_199 : vector<16xf32>
    %get3A_201 = arith.constant 96 : index
    %get3A_202 = tpu.vector_load %arg22[%get3A_201] {strides = array<i32>} : memref<256xf32, #tpu.memory_space<vmem>>, vector<16xf32>,
    %get3A_203 = vector.shape_cast %get3A_202 : vector<16xf32> to vector<16xf32>
    %mul3A_204 = arith.mulf %mul3A_200, %get3A_203 : vector<16xf32>
    %swap3A_205 = arith.constant 96 : index
    %swap3A_206 = tpu.vector_load %arg28[%swap3A_205] {strides = array<i32>} : memref<256xf32, #tpu.memory_space<vmem>>, vector<16xf32>,
    %swap3A_207 = vector.shape_cast %swap3A_206 : vector<16xf32> to vector<16xf32>
    %swap3A_208 = vector.shape_cast %mul3A_204 : vector<16xf32> to vector<16xf32>
    tpu.vector_store %arg28[%swap3A_205], %swap3A_208 {strides = array<i32>} : memref<256xf32, #tpu.memory_space<vmem>>, vector<16xf32>,
    %sign3A_209 = tpu.bitcast %mul3A_204 : vector<16xf32> -> vector<16xi32>
    %sign3A_210 = arith.constant -2147483648 : i32
    %sign3A_211 = vector.broadcast %sign3A_210 : i32 to vector<16xi32>
    %sign3A_212 = arith.andi %sign3A_209, %sign3A_211 : vector<16xi32>
    %sign3A_213 = arith.constant 1065353216 : i32
    %sign3A_214 = vector.broadcast %sign3A_213 : i32 to vector<16xi32>
    %sign3A_215 = arith.ori %sign3A_214, %sign3A_212 : vector<16xi32>
    %sign3A_216 = tpu.bitcast %sign3A_215 : vector<16xi32> -> vector<16xf32>
    %sign3A_217 = math.absf %mul3A_204 : vector<16xf32>
    %sign3A_218 = arith.constant 0.000000e+00 : f32
    %sign3A_219 = vector.broadcast %sign3A_218 : f32 to vector<16xf32>
    %sign3A_220 = arith.cmpf ogt, %sign3A_217, %sign3A_219 : vector<16xf32>
    %sign3A_221 = arith.select %sign3A_220, %sign3A_216, %mul3A_204 : vector<16xi1>, vector<16xf32>
    %swap3A_222 = arith.constant 96 : index
    %swap3A_223 = tpu.vector_load %arg29[%swap3A_222] {strides = array<i32>} : memref<256xf32, #tpu.memory_space<vmem>>, vector<16xf32>,
    %swap3A_224 = vector.shape_cast %swap3A_223 : vector<16xf32> to vector<16xf32>
    %swap3A_225 = vector.shape_cast %sign3A_221 : vector<16xf32> to vector<16xf32>
    tpu.vector_store %arg29[%swap3A_222], %swap3A_225 {strides = array<i32>} : memref<256xf32, #tpu.memory_space<vmem>>, vector<16xf32>,
    %get3A_226 = arith.constant 112 : index
    %get3A_227 = tpu.vector_load %arg20[%get3A_226] {strides = array<i32>} : memref<256xf32, #tpu.memory_space<vmem>>, vector<16xf32>,
    %get3A_228 = vector.shape_cast %get3A_227 : vector<16xf32> to vector<16xf32>
    %get3A_229 = arith.constant 112 : index
    %get3A_230 = tpu.vector_load %arg21[%get3A_229] {strides = array<i32>} : memref<256xf32, #tpu.memory_space<vmem>>, vector<16xf32>,
    %get3A_231 = vector.shape_cast %get3A_230 : vector<16xf32> to vector<16xf32>
    %mul3A_232 = arith.mulf %get3A_228, %get3A_231 : vector<16xf32>
    %get3A_233 = arith.constant 112 : index
    %get3A_234 = tpu.vector_load %arg22[%get3A_233] {strides = array<i32>} : memref<256xf32, #tpu.memory_space<vmem>>, vector<16xf32>,
    %get3A_235 = vector.shape_cast %get3A_234 : vector<16xf32> to vector<16xf32>
    %mul3A_236 = arith.mulf %mul3A_232, %get3A_235 : vector<16xf32>
    %swap3A_237 = arith.constant 112 : index
    %swap3A_238 = tpu.vector_load %arg28[%swap3A_237] {strides = array<i32>} : memref<256xf32, #tpu.memory_space<vmem>>, vector<16xf32>,
    %swap3A_239 = vector.shape_cast %swap3A_238 : vector<16xf32> to vector<16xf32>
    %swap3A_240 = vector.shape_cast %mul3A_236 : vector<16xf32> to vector<16xf32>
    tpu.vector_store %arg28[%swap3A_237], %swap3A_240 {strides = array<i32>} : memref<256xf32, #tpu.memory_space<vmem>>, vector<16xf32>,
    %sign3A_241 = tpu.bitcast %mul3A_236 : vector<16xf32> -> vector<16xi32>
    %sign3A_242 = arith.constant -2147483648 : i32
    %sign3A_243 = vector.broadcast %sign3A_242 : i32 to vector<16xi32>
    %sign3A_244 = arith.andi %sign3A_241, %sign3A_243 : vector<16xi32>
    %sign3A_245 = arith.constant 1065353216 : i32
    %sign3A_246 = vector.broadcast %sign3A_245 : i32 to vector<16xi32>
    %sign3A_247 = arith.ori %sign3A_246, %sign3A_244 : vector<16xi32>
    %sign3A_248 = tpu.bitcast %sign3A_247 : vector<16xi32> -> vector<16xf32>
    %sign3A_249 = math.absf %mul3A_236 : vector<16xf32>
    %sign3A_250 = arith.constant 0.000000e+00 : f32
    %sign3A_251 = vector.broadcast %sign3A_250 : f32 to vector<16xf32>
    %sign3A_252 = arith.cmpf ogt, %sign3A_249, %sign3A_251 : vector<16xf32>
    %sign3A_253 = arith.select %sign3A_252, %sign3A_248, %mul3A_236 : vector<16xi1>, vector<16xf32>
    %swap3A_254 = arith.constant 112 : index
    %swap3A_255 = tpu.vector_load %arg29[%swap3A_254] {strides = array<i32>} : memref<256xf32, #tpu.memory_space<vmem>>, vector<16xf32>,
    %swap3A_256 = vector.shape_cast %swap3A_255 : vector<16xf32> to vector<16xf32>
    %swap3A_257 = vector.shape_cast %sign3A_253 : vector<16xf32> to vector<16xf32>
    tpu.vector_store %arg29[%swap3A_254], %swap3A_257 {strides = array<i32>} : memref<256xf32, #tpu.memory_space<vmem>>, vector<16xf32>,
    %get3A_258 = arith.constant 128 : index
    %get3A_259 = tpu.vector_load %arg20[%get3A_258] {strides = array<i32>} : memref<256xf32, #tpu.memory_space<vmem>>, vector<16xf32>,
    %get3A_260 = vector.shape_cast %get3A_259 : vector<16xf32> to vector<16xf32>
    %get3A_261 = arith.constant 128 : index
    %get3A_262 = tpu.vector_load %arg21[%get3A_261] {strides = array<i32>} : memref<256xf32, #tpu.memory_space<vmem>>, vector<16xf32>,
    %get3A_263 = vector.shape_cast %get3A_262 : vector<16xf32> to vector<16xf32>
    %mul3A_264 = arith.mulf %get3A_260, %get3A_263 : vector<16xf32>
    %get3A_265 = arith.constant 128 : index
    %get3A_266 = tpu.vector_load %arg22[%get3A_265] {strides = array<i32>} : memref<256xf32, #tpu.memory_space<vmem>>, vector<16xf32>,
    %get3A_267 = vector.shape_cast %get3A_266 : vector<16xf32> to vector<16xf32>
    %mul3A_268 = arith.mulf %mul3A_264, %get3A_267 : vector<16xf32>
    %swap3A_269 = arith.constant 128 : index
    %swap3A_270 = tpu.vector_load %arg28[%swap3A_269] {strides = array<i32>} : memref<256xf32, #tpu.memory_space<vmem>>, vector<16xf32>,
    %swap3A_271 = vector.shape_cast %swap3A_270 : vector<16xf32> to vector<16xf32>
    %swap3A_272 = vector.shape_cast %mul3A_268 : vector<16xf32> to vector<16xf32>
    tpu.vector_store %arg28[%swap3A_269], %swap3A_272 {strides = array<i32>} : memref<256xf32, #tpu.memory_space<vmem>>, vector<16xf32>,
    %sign3A_273 = tpu.bitcast %mul3A_268 : vector<16xf32> -> vector<16xi32>
    %sign3A_274 = arith.constant -2147483648 : i32
    %sign3A_275 = vector.broadcast %sign3A_274 : i32 to vector<16xi32>
    %sign3A_276 = arith.andi %sign3A_273, %sign3A_275 : vector<16xi32>
    %sign3A_277 = arith.constant 1065353216 : i32
    %sign3A_278 = vector.broadcast %sign3A_277 : i32 to vector<16xi32>
    %sign3A_279 = arith.ori %sign3A_278, %sign3A_276 : vector<16xi32>
    %sign3A_280 = tpu.bitcast %sign3A_279 : vector<16xi32> -> vector<16xf32>
    %sign3A_281 = math.absf %mul3A_268 : vector<16xf32>
    %sign3A_282 = arith.constant 0.000000e+00 : f32
    %sign3A_283 = vector.broadcast %sign3A_282 : f32 to vector<16xf32>
    %sign3A_284 = arith.cmpf ogt, %sign3A_281, %sign3A_283 : vector<16xf32>
    %sign3A_285 = arith.select %sign3A_284, %sign3A_280, %mul3A_268 : vector<16xi1>, vector<16xf32>
    %swap3A_286 = arith.constant 128 : index
    %swap3A_287 = tpu.vector_load %arg29[%swap3A_286] {strides = array<i32>} : memref<256xf32, #tpu.memory_space<vmem>>, vector<16xf32>,
    %swap3A_288 = vector.shape_cast %swap3A_287 : vector<16xf32> to vector<16xf32>
    %swap3A_289 = vector.shape_cast %sign3A_285 : vector<16xf32> to vector<16xf32>
    tpu.vector_store %arg29[%swap3A_286], %swap3A_289 {strides = array<i32>} : memref<256xf32, #tpu.memory_space<vmem>>, vector<16xf32>,
    %get3A_290 = arith.constant 144 : index
    %get3A_291 = tpu.vector_load %arg20[%get3A_290] {strides = array<i32>} : memref<256xf32, #tpu.memory_space<vmem>>, vector<16xf32>,
    %get3A_292 = vector.shape_cast %get3A_291 : vector<16xf32> to vector<16xf32>
    %get3A_293 = arith.constant 144 : index
    %get3A_294 = tpu.vector_load %arg21[%get3A_293] {strides = array<i32>} : memref<256xf32, #tpu.memory_space<vmem>>, vector<16xf32>,
    %get3A_295 = vector.shape_cast %get3A_294 : vector<16xf32> to vector<16xf32>
    %mul3A_296 = arith.mulf %get3A_292, %get3A_295 : vector<16xf32>
    %get3A_297 = arith.constant 144 : index
    %get3A_298 = tpu.vector_load %arg22[%get3A_297] {strides = array<i32>} : memref<256xf32, #tpu.memory_space<vmem>>, vector<16xf32>,
    %get3A_299 = vector.shape_cast %get3A_298 : vector<16xf32> to vector<16xf32>
    %mul3A_300 = arith.mulf %mul3A_296, %get3A_299 : vector<16xf32>
    %swap3A_301 = arith.constant 144 : index
    %swap3A_302 = tpu.vector_load %arg28[%swap3A_301] {strides = array<i32>} : memref<256xf32, #tpu.memory_space<vmem>>, vector<16xf32>,
    %swap3A_303 = vector.shape_cast %swap3A_302 : vector<16xf32> to vector<16xf32>
    %swap3A_304 = vector.shape_cast %mul3A_300 : vector<16xf32> to vector<16xf32>
    tpu.vector_store %arg28[%swap3A_301], %swap3A_304 {strides = array<i32>} : memref<256xf32, #tpu.memory_space<vmem>>, vector<16xf32>,
    %sign3A_305 = tpu.bitcast %mul3A_300 : vector<16xf32> -> vector<16xi32>
    %sign3A_306 = arith.constant -2147483648 : i32
    %sign3A_307 = vector.broadcast %sign3A_306 : i32 to vector<16xi32>
    %sign3A_308 = arith.andi %sign3A_305, %sign3A_307 : vector<16xi32>
    %sign3A_309 = arith.constant 1065353216 : i32
    %sign3A_310 = vector.broadcast %sign3A_309 : i32 to vector<16xi32>
    %sign3A_311 = arith.ori %sign3A_310, %sign3A_308 : vector<16xi32>
    %sign3A_312 = tpu.bitcast %sign3A_311 : vector<16xi32> -> vector<16xf32>
    %sign3A_313 = math.absf %mul3A_300 : vector<16xf32>
    %sign3A_314 = arith.constant 0.000000e+00 : f32
    %sign3A_315 = vector.broadcast %sign3A_314 : f32 to vector<16xf32>
    %sign3A_316 = arith.cmpf ogt, %sign3A_313, %sign3A_315 : vector<16xf32>
    %sign3A_317 = arith.select %sign3A_316, %sign3A_312, %mul3A_300 : vector<16xi1>, vector<16xf32>
    %swap3A_318 = arith.constant 144 : index
    %swap3A_319 = tpu.vector_load %arg29[%swap3A_318] {strides = array<i32>} : memref<256xf32, #tpu.memory_space<vmem>>, vector<16xf32>,
    %swap3A_320 = vector.shape_cast %swap3A_319 : vector<16xf32> to vector<16xf32>
    %swap3A_321 = vector.shape_cast %sign3A_317 : vector<16xf32> to vector<16xf32>
    tpu.vector_store %arg29[%swap3A_318], %swap3A_321 {strides = array<i32>} : memref<256xf32, #tpu.memory_space<vmem>>, vector<16xf32>,
    %get3A_322 = arith.constant 160 : index
    %get3A_323 = tpu.vector_load %arg20[%get3A_322] {strides = array<i32>} : memref<256xf32, #tpu.memory_space<vmem>>, vector<16xf32>,
    %get3A_324 = vector.shape_cast %get3A_323 : vector<16xf32> to vector<16xf32>
    %get3A_325 = arith.constant 160 : index
    %get3A_326 = tpu.vector_load %arg21[%get3A_325] {strides = array<i32>} : memref<256xf32, #tpu.memory_space<vmem>>, vector<16xf32>,
    %get3A_327 = vector.shape_cast %get3A_326 : vector<16xf32> to vector<16xf32>
    %mul3A_328 = arith.mulf %get3A_324, %get3A_327 : vector<16xf32>
    %get3A_329 = arith.constant 160 : index
    %get3A_330 = tpu.vector_load %arg22[%get3A_329] {strides = array<i32>} : memref<256xf32, #tpu.memory_space<vmem>>, vector<16xf32>,
    %get3A_331 = vector.shape_cast %get3A_330 : vector<16xf32> to vector<16xf32>
    %mul3A_332 = arith.mulf %mul3A_328, %get3A_331 : vector<16xf32>
    %swap3A_333 = arith.constant 160 : index
    %swap3A_334 = tpu.vector_load %arg28[%swap3A_333] {strides = array<i32>} : memref<256xf32, #tpu.memory_space<vmem>>, vector<16xf32>,
    %swap3A_335 = vector.shape_cast %swap3A_334 : vector<16xf32> to vector<16xf32>
    %swap3A_336 = vector.shape_cast %mul3A_332 : vector<16xf32> to vector<16xf32>
    tpu.vector_store %arg28[%swap3A_333], %swap3A_336 {strides = array<i32>} : memref<256xf32, #tpu.memory_space<vmem>>, vector<16xf32>,
    %sign3A_337 = tpu.bitcast %mul3A_332 : vector<16xf32> -> vector<16xi32>
    %sign3A_338 = arith.constant -2147483648 : i32
    %sign3A_339 = vector.broadcast %sign3A_338 : i32 to vector<16xi32>
    %sign3A_340 = arith.andi %sign3A_337, %sign3A_339 : vector<16xi32>
    %sign3A_341 = arith.constant 1065353216 : i32
    %sign3A_342 = vector.broadcast %sign3A_341 : i32 to vector<16xi32>
    %sign3A_343 = arith.ori %sign3A_342, %sign3A_340 : vector<16xi32>
    %sign3A_344 = tpu.bitcast %sign3A_343 : vector<16xi32> -> vector<16xf32>
    %sign3A_345 = math.absf %mul3A_332 : vector<16xf32>
    %sign3A_346 = arith.constant 0.000000e+00 : f32
    %sign3A_347 = vector.broadcast %sign3A_346 : f32 to vector<16xf32>
    %sign3A_348 = arith.cmpf ogt, %sign3A_345, %sign3A_347 : vector<16xf32>
    %sign3A_349 = arith.select %sign3A_348, %sign3A_344, %mul3A_332 : vector<16xi1>, vector<16xf32>
    %swap3A_350 = arith.constant 160 : index
    %swap3A_351 = tpu.vector_load %arg29[%swap3A_350] {strides = array<i32>} : memref<256xf32, #tpu.memory_space<vmem>>, vector<16xf32>,
    %swap3A_352 = vector.shape_cast %swap3A_351 : vector<16xf32> to vector<16xf32>
    %swap3A_353 = vector.shape_cast %sign3A_349 : vector<16xf32> to vector<16xf32>
    tpu.vector_store %arg29[%swap3A_350], %swap3A_353 {strides = array<i32>} : memref<256xf32, #tpu.memory_space<vmem>>, vector<16xf32>,
    %get3A_354 = arith.constant 176 : index
    %get3A_355 = tpu.vector_load %arg20[%get3A_354] {strides = array<i32>} : memref<256xf32, #tpu.memory_space<vmem>>, vector<16xf32>,
    %get3A_356 = vector.shape_cast %get3A_355 : vector<16xf32> to vector<16xf32>
    %get3A_357 = arith.constant 176 : index
    %get3A_358 = tpu.vector_load %arg21[%get3A_357] {strides = array<i32>} : memref<256xf32, #tpu.memory_space<vmem>>, vector<16xf32>,
    %get3A_359 = vector.shape_cast %get3A_358 : vector<16xf32> to vector<16xf32>
    %mul3A_360 = arith.mulf %get3A_356, %get3A_359 : vector<16xf32>
    %get3A_361 = arith.constant 176 : index
    %get3A_362 = tpu.vector_load %arg22[%get3A_361] {strides = array<i32>} : memref<256xf32, #tpu.memory_space<vmem>>, vector<16xf32>,
    %get3A_363 = vector.shape_cast %get3A_362 : vector<16xf32> to vector<16xf32>
    %mul3A_364 = arith.mulf %mul3A_360, %get3A_363 : vector<16xf32>
    %swap3A_365 = arith.constant 176 : index
    %swap3A_366 = tpu.vector_load %arg28[%swap3A_365] {strides = array<i32>} : memref<256xf32, #tpu.memory_space<vmem>>, vector<16xf32>,
    %swap3A_367 = vector.shape_cast %swap3A_366 : vector<16xf32> to vector<16xf32>
    %swap3A_368 = vector.shape_cast %mul3A_364 : vector<16xf32> to vector<16xf32>
    tpu.vector_store %arg28[%swap3A_365], %swap3A_368 {strides = array<i32>} : memref<256xf32, #tpu.memory_space<vmem>>, vector<16xf32>,
    %sign3A_369 = tpu.bitcast %mul3A_364 : vector<16xf32> -> vector<16xi32>
    %sign3A_370 = arith.constant -2147483648 : i32
    %sign3A_371 = vector.broadcast %sign3A_370 : i32 to vector<16xi32>
    %sign3A_372 = arith.andi %sign3A_369, %sign3A_371 : vector<16xi32>
    %sign3A_373 = arith.constant 1065353216 : i32
    %sign3A_374 = vector.broadcast %sign3A_373 : i32 to vector<16xi32>
    %sign3A_375 = arith.ori %sign3A_374, %sign3A_372 : vector<16xi32>
    %sign3A_376 = tpu.bitcast %sign3A_375 : vector<16xi32> -> vector<16xf32>
    %sign3A_377 = math.absf %mul3A_364 : vector<16xf32>
    %sign3A_378 = arith.constant 0.000000e+00 : f32
    %sign3A_379 = vector.broadcast %sign3A_378 : f32 to vector<16xf32>
    %sign3A_380 = arith.cmpf ogt, %sign3A_377, %sign3A_379 : vector<16xf32>
    %sign3A_381 = arith.select %sign3A_380, %sign3A_376, %mul3A_364 : vector<16xi1>, vector<16xf32>
    %swap3A_382 = arith.constant 176 : index
    %swap3A_383 = tpu.vector_load %arg29[%swap3A_382] {strides = array<i32>} : memref<256xf32, #tpu.memory_space<vmem>>, vector<16xf32>,
    %swap3A_384 = vector.shape_cast %swap3A_383 : vector<16xf32> to vector<16xf32>
    %swap3A_385 = vector.shape_cast %sign3A_381 : vector<16xf32> to vector<16xf32>
    tpu.vector_store %arg29[%swap3A_382], %swap3A_385 {strides = array<i32>} : memref<256xf32, #tpu.memory_space<vmem>>, vector<16xf32>,
    %get3A_386 = arith.constant 192 : index
    %get3A_387 = tpu.vector_load %arg20[%get3A_386] {strides = array<i32>} : memref<256xf32, #tpu.memory_space<vmem>>, vector<16xf32>,
    %get3A_388 = vector.shape_cast %get3A_387 : vector<16xf32> to vector<16xf32>
    %get3A_389 = arith.constant 192 : index
    %get3A_390 = tpu.vector_load %arg21[%get3A_389] {strides = array<i32>} : memref<256xf32, #tpu.memory_space<vmem>>, vector<16xf32>,
    %get3A_391 = vector.shape_cast %get3A_390 : vector<16xf32> to vector<16xf32>
    %mul3A_392 = arith.mulf %get3A_388, %get3A_391 : vector<16xf32>
    %get3A_393 = arith.constant 192 : index
    %get3A_394 = tpu.vector_load %arg22[%get3A_393] {strides = array<i32>} : memref<256xf32, #tpu.memory_space<vmem>>, vector<16xf32>,
    %get3A_395 = vector.shape_cast %get3A_394 : vector<16xf32> to vector<16xf32>
    %mul3A_396 = arith.mulf %mul3A_392, %get3A_395 : vector<16xf32>
    %swap3A_397 = arith.constant 192 : index
    %swap3A_398 = tpu.vector_load %arg28[%swap3A_397] {strides = array<i32>} : memref<256xf32, #tpu.memory_space<vmem>>, vector<16xf32>,
    %swap3A_399 = vector.shape_cast %swap3A_398 : vector<16xf32> to vector<16xf32>
    %swap3A_400 = vector.shape_cast %mul3A_396 : vector<16xf32> to vector<16xf32>
    tpu.vector_store %arg28[%swap3A_397], %swap3A_400 {strides = array<i32>} : memref<256xf32, #tpu.memory_space<vmem>>, vector<16xf32>,
    %sign3A_401 = tpu.bitcast %mul3A_396 : vector<16xf32> -> vector<16xi32>
    %sign3A_402 = arith.constant -2147483648 : i32
    %sign3A_403 = vector.broadcast %sign3A_402 : i32 to vector<16xi32>
    %sign3A_404 = arith.andi %sign3A_401, %sign3A_403 : vector<16xi32>
    %sign3A_405 = arith.constant 1065353216 : i32
    %sign3A_406 = vector.broadcast %sign3A_405 : i32 to vector<16xi32>
    %sign3A_407 = arith.ori %sign3A_406, %sign3A_404 : vector<16xi32>
    %sign3A_408 = tpu.bitcast %sign3A_407 : vector<16xi32> -> vector<16xf32>
    %sign3A_409 = math.absf %mul3A_396 : vector<16xf32>
    %sign3A_410 = arith.constant 0.000000e+00 : f32
    %sign3A_411 = vector.broadcast %sign3A_410 : f32 to vector<16xf32>
    %sign3A_412 = arith.cmpf ogt, %sign3A_409, %sign3A_411 : vector<16xf32>
    %sign3A_413 = arith.select %sign3A_412, %sign3A_408, %mul3A_396 : vector<16xi1>, vector<16xf32>
    %swap3A_414 = arith.constant 192 : index
    %swap3A_415 = tpu.vector_load %arg29[%swap3A_414] {strides = array<i32>} : memref<256xf32, #tpu.memory_space<vmem>>, vector<16xf32>,
    %swap3A_416 = vector.shape_cast %swap3A_415 : vector<16xf32> to vector<16xf32>
    %swap3A_417 = vector.shape_cast %sign3A_413 : vector<16xf32> to vector<16xf32>
    tpu.vector_store %arg29[%swap3A_414], %swap3A_417 {strides = array<i32>} : memref<256xf32, #tpu.memory_space<vmem>>, vector<16xf32>,
    %get3A_418 = arith.constant 208 : index
    %get3A_419 = tpu.vector_load %arg20[%get3A_418] {strides = array<i32>} : memref<256xf32, #tpu.memory_space<vmem>>, vector<16xf32>,
    %get3A_420 = vector.shape_cast %get3A_419 : vector<16xf32> to vector<16xf32>
    %get3A_421 = arith.constant 208 : index
    %get3A_422 = tpu.vector_load %arg21[%get3A_421] {strides = array<i32>} : memref<256xf32, #tpu.memory_space<vmem>>, vector<16xf32>,
    %get3A_423 = vector.shape_cast %get3A_422 : vector<16xf32> to vector<16xf32>
    %mul3A_424 = arith.mulf %get3A_420, %get3A_423 : vector<16xf32>
    %get3A_425 = arith.constant 208 : index
    %get3A_426 = tpu.vector_load %arg22[%get3A_425] {strides = array<i32>} : memref<256xf32, #tpu.memory_space<vmem>>, vector<16xf32>,
    %get3A_427 = vector.shape_cast %get3A_426 : vector<16xf32> to vector<16xf32>
    %mul3A_428 = arith.mulf %mul3A_424, %get3A_427 : vector<16xf32>
    %swap3A_429 = arith.constant 208 : index
    %swap3A_430 = tpu.vector_load %arg28[%swap3A_429] {strides = array<i32>} : memref<256xf32, #tpu.memory_space<vmem>>, vector<16xf32>,
    %swap3A_431 = vector.shape_cast %swap3A_430 : vector<16xf32> to vector<16xf32>
    %swap3A_432 = vector.shape_cast %mul3A_428 : vector<16xf32> to vector<16xf32>
    tpu.vector_store %arg28[%swap3A_429], %swap3A_432 {strides = array<i32>} : memref<256xf32, #tpu.memory_space<vmem>>, vector<16xf32>,
    %sign3A_433 = tpu.bitcast %mul3A_428 : vector<16xf32> -> vector<16xi32>
    %sign3A_434 = arith.constant -2147483648 : i32
    %sign3A_435 = vector.broadcast %sign3A_434 : i32 to vector<16xi32>
    %sign3A_436 = arith.andi %sign3A_433, %sign3A_435 : vector<16xi32>
    %sign3A_437 = arith.constant 1065353216 : i32
    %sign3A_438 = vector.broadcast %sign3A_437 : i32 to vector<16xi32>
    %sign3A_439 = arith.ori %sign3A_438, %sign3A_436 : vector<16xi32>
    %sign3A_440 = tpu.bitcast %sign3A_439 : vector<16xi32> -> vector<16xf32>
    %sign3A_441 = math.absf %mul3A_428 : vector<16xf32>
    %sign3A_442 = arith.constant 0.000000e+00 : f32
    %sign3A_443 = vector.broadcast %sign3A_442 : f32 to vector<16xf32>
    %sign3A_444 = arith.cmpf ogt, %sign3A_441, %sign3A_443 : vector<16xf32>
    %sign3A_445 = arith.select %sign3A_444, %sign3A_440, %mul3A_428 : vector<16xi1>, vector<16xf32>
    %swap3A_446 = arith.constant 208 : index
    %swap3A_447 = tpu.vector_load %arg29[%swap3A_446] {strides = array<i32>} : memref<256xf32, #tpu.memory_space<vmem>>, vector<16xf32>,
    %swap3A_448 = vector.shape_cast %swap3A_447 : vector<16xf32> to vector<16xf32>
    %swap3A_449 = vector.shape_cast %sign3A_445 : vector<16xf32> to vector<16xf32>
    tpu.vector_store %arg29[%swap3A_446], %swap3A_449 {strides = array<i32>} : memref<256xf32, #tpu.memory_space<vmem>>, vector<16xf32>,
    %get3A_450 = arith.constant 224 : index
    %get3A_451 = tpu.vector_load %arg20[%get3A_450] {strides = array<i32>} : memref<256xf32, #tpu.memory_space<vmem>>, vector<16xf32>,
    %get3A_452 = vector.shape_cast %get3A_451 : vector<16xf32> to vector<16xf32>
    %get3A_453 = arith.constant 224 : index
    %get3A_454 = tpu.vector_load %arg21[%get3A_453] {strides = array<i32>} : memref<256xf32, #tpu.memory_space<vmem>>, vector<16xf32>,
    %get3A_455 = vector.shape_cast %get3A_454 : vector<16xf32> to vector<16xf32>
    %mul3A_456 = arith.mulf %get3A_452, %get3A_455 : vector<16xf32>
    %get3A_457 = arith.constant 224 : index
    %get3A_458 = tpu.vector_load %arg22[%get3A_457] {strides = array<i32>} : memref<256xf32, #tpu.memory_space<vmem>>, vector<16xf32>,
    %get3A_459 = vector.shape_cast %get3A_458 : vector<16xf32> to vector<16xf32>
    %mul3A_460 = arith.mulf %mul3A_456, %get3A_459 : vector<16xf32>
    %swap3A_461 = arith.constant 224 : index
    %swap3A_462 = tpu.vector_load %arg28[%swap3A_461] {strides = array<i32>} : memref<256xf32, #tpu.memory_space<vmem>>, vector<16xf32>,
    %swap3A_463 = vector.shape_cast %swap3A_462 : vector<16xf32> to vector<16xf32>
    %swap3A_464 = vector.shape_cast %mul3A_460 : vector<16xf32> to vector<16xf32>
    tpu.vector_store %arg28[%swap3A_461], %swap3A_464 {strides = array<i32>} : memref<256xf32, #tpu.memory_space<vmem>>, vector<16xf32>,
    %sign3A_465 = tpu.bitcast %mul3A_460 : vector<16xf32> -> vector<16xi32>
    %sign3A_466 = arith.constant -2147483648 : i32
    %sign3A_467 = vector.broadcast %sign3A_466 : i32 to vector<16xi32>
    %sign3A_468 = arith.andi %sign3A_465, %sign3A_467 : vector<16xi32>
    %sign3A_469 = arith.constant 1065353216 : i32
    %sign3A_470 = vector.broadcast %sign3A_469 : i32 to vector<16xi32>
    %sign3A_471 = arith.ori %sign3A_470, %sign3A_468 : vector<16xi32>
    %sign3A_472 = tpu.bitcast %sign3A_471 : vector<16xi32> -> vector<16xf32>
    %sign3A_473 = math.absf %mul3A_460 : vector<16xf32>
    %sign3A_474 = arith.constant 0.000000e+00 : f32
    %sign3A_475 = vector.broadcast %sign3A_474 : f32 to vector<16xf32>
    %sign3A_476 = arith.cmpf ogt, %sign3A_473, %sign3A_475 : vector<16xf32>
    %sign3A_477 = arith.select %sign3A_476, %sign3A_472, %mul3A_460 : vector<16xi1>, vector<16xf32>
    %swap3A_478 = arith.constant 224 : index
    %swap3A_479 = tpu.vector_load %arg29[%swap3A_478] {strides = array<i32>} : memref<256xf32, #tpu.memory_space<vmem>>, vector<16xf32>,
    %swap3A_480 = vector.shape_cast %swap3A_479 : vector<16xf32> to vector<16xf32>
    %swap3A_481 = vector.shape_cast %sign3A_477 : vector<16xf32> to vector<16xf32>
    tpu.vector_store %arg29[%swap3A_478], %swap3A_481 {strides = array<i32>} : memref<256xf32, #tpu.memory_space<vmem>>, vector<16xf32>,
    %get3A_482 = arith.constant 240 : index
    %get3A_483 = tpu.vector_load %arg20[%get3A_482] {strides = array<i32>} : memref<256xf32, #tpu.memory_space<vmem>>, vector<16xf32>,
    %get3A_484 = vector.shape_cast %get3A_483 : vector<16xf32> to vector<16xf32>
    %get3A_485 = arith.constant 240 : index
    %get3A_486 = tpu.vector_load %arg21[%get3A_485] {strides = array<i32>} : memref<256xf32, #tpu.memory_space<vmem>>, vector<16xf32>,
    %get3A_487 = vector.shape_cast %get3A_486 : vector<16xf32> to vector<16xf32>
    %mul3A_488 = arith.mulf %get3A_484, %get3A_487 : vector<16xf32>
    %get3A_489 = arith.constant 240 : index
    %get3A_490 = tpu.vector_load %arg22[%get3A_489] {strides = array<i32>} : memref<256xf32, #tpu.memory_space<vmem>>, vector<16xf32>,
    %get3A_491 = vector.shape_cast %get3A_490 : vector<16xf32> to vector<16xf32>
    %mul3A_492 = arith.mulf %mul3A_488, %get3A_491 : vector<16xf32>
    %swap3A_493 = arith.constant 240 : index
    %swap3A_494 = tpu.vector_load %arg28[%swap3A_493] {strides = array<i32>} : memref<256xf32, #tpu.memory_space<vmem>>, vector<16xf32>,
    %swap3A_495 = vector.shape_cast %swap3A_494 : vector<16xf32> to vector<16xf32>
    %swap3A_496 = vector.shape_cast %mul3A_492 : vector<16xf32> to vector<16xf32>
    tpu.vector_store %arg28[%swap3A_493], %swap3A_496 {strides = array<i32>} : memref<256xf32, #tpu.memory_space<vmem>>, vector<16xf32>,
    %sign3A_497 = tpu.bitcast %mul3A_492 : vector<16xf32> -> vector<16xi32>
    %sign3A_498 = arith.constant -2147483648 : i32
    %sign3A_499 = vector.broadcast %sign3A_498 : i32 to vector<16xi32>
    %sign3A_500 = arith.andi %sign3A_497, %sign3A_499 : vector<16xi32>
    %sign3A_501 = arith.constant 1065353216 : i32
    %sign3A_502 = vector.broadcast %sign3A_501 : i32 to vector<16xi32>
    %sign3A_503 = arith.ori %sign3A_502, %sign3A_500 : vector<16xi32>
    %sign3A_504 = tpu.bitcast %sign3A_503 : vector<16xi32> -> vector<16xf32>
    %sign3A_505 = math.absf %mul3A_492 : vector<16xf32>
    %sign3A_506 = arith.constant 0.000000e+00 : f32
    %sign3A_507 = vector.broadcast %sign3A_506 : f32 to vector<16xf32>
    %sign3A_508 = arith.cmpf ogt, %sign3A_505, %sign3A_507 : vector<16xf32>
    %sign3A_509 = arith.select %sign3A_508, %sign3A_504, %mul3A_492 : vector<16xi1>, vector<16xf32>
    %swap3A_510 = arith.constant 240 : index
    %swap3A_511 = tpu.vector_load %arg29[%swap3A_510] {strides = array<i32>} : memref<256xf32, #tpu.memory_space<vmem>>, vector<16xf32>,
    %swap3A_512 = vector.shape_cast %swap3A_511 : vector<16xf32> to vector<16xf32>
    %swap3A_513 = vector.shape_cast %sign3A_509 : vector<16xf32> to vector<16xf32>
    tpu.vector_store %arg29[%swap3A_510], %swap3A_513 {strides = array<i32>} : memref<256xf32, #tpu.memory_space<vmem>>, vector<16xf32>,
    %dma_start3A = arith.constant 0 : i32
    %dma_start3A_514 = tpu.memref_slice %arg23[%dma_start3A] : memref<256xf32, #tpu.memory_space<vmem>> -> memref<128xf32, #tpu.memory_space<vmem>>
    %dma_start3A_515 = arith.constant 0 : i32
    %dma_start3A_516 = tpu.memref_slice %arg11[%dma_start3A_515] : memref<8192xf32, #tpu.memory_space<hbm>> -> memref<8192xf32, #tpu.memory_space<hbm>>
    tpu.enqueue_indirect_dma source(%dma_start3A_514 : memref<128xf32, #tpu.memory_space<vmem>>) target(%dma_start3A_516 : memref<8192xf32, #tpu.memory_space<hbm>>) offsets(%arg18 : memref<128xi32, #tpu.memory_space<vmem>>) semaphore(%arg30 : memref<!tpu.dma_semaphore, #tpu.memory_space<semaphore_mem>>)
    %dma_start3A_517 = arith.constant 128 : i32
    %dma_start3A_518 = tpu.memref_slice %arg23[%dma_start3A_517] : memref<256xf32, #tpu.memory_space<vmem>> -> memref<128xf32, #tpu.memory_space<vmem>>
    %dma_start3A_519 = arith.constant 0 : i32
    %dma_start3A_520 = tpu.memref_slice %arg11[%dma_start3A_519] : memref<8192xf32, #tpu.memory_space<hbm>> -> memref<8192xf32, #tpu.memory_space<hbm>>
    tpu.enqueue_indirect_dma source(%dma_start3A_518 : memref<128xf32, #tpu.memory_space<vmem>>) target(%dma_start3A_520 : memref<8192xf32, #tpu.memory_space<hbm>>) offsets(%arg19 : memref<128xi32, #tpu.memory_space<vmem>>) semaphore(%arg30 : memref<!tpu.dma_semaphore, #tpu.memory_space<semaphore_mem>>)
    %dma_start3A_521 = arith.constant 0 : i32
    %dma_start3A_522 = tpu.memref_slice %arg24[%dma_start3A_521] : memref<256xf32, #tpu.memory_space<vmem>> -> memref<128xf32, #tpu.memory_space<vmem>>
    %dma_start3A_523 = arith.constant 0 : i32
    %dma_start3A_524 = tpu.memref_slice %arg12[%dma_start3A_523] : memref<8192xf32, #tpu.memory_space<hbm>> -> memref<8192xf32, #tpu.memory_space<hbm>>
    tpu.enqueue_indirect_dma source(%dma_start3A_522 : memref<128xf32, #tpu.memory_space<vmem>>) target(%dma_start3A_524 : memref<8192xf32, #tpu.memory_space<hbm>>) offsets(%arg18 : memref<128xi32, #tpu.memory_space<vmem>>) semaphore(%arg30 : memref<!tpu.dma_semaphore, #tpu.memory_space<semaphore_mem>>)
    %dma_start3A_525 = arith.constant 128 : i32
    %dma_start3A_526 = tpu.memref_slice %arg24[%dma_start3A_525] : memref<256xf32, #tpu.memory_space<vmem>> -> memref<128xf32, #tpu.memory_space<vmem>>
    %dma_start3A_527 = arith.constant 0 : i32
    %dma_start3A_528 = tpu.memref_slice %arg12[%dma_start3A_527] : memref<8192xf32, #tpu.memory_space<hbm>> -> memref<8192xf32, #tpu.memory_space<hbm>>
    tpu.enqueue_indirect_dma source(%dma_start3A_526 : memref<128xf32, #tpu.memory_space<vmem>>) target(%dma_start3A_528 : memref<8192xf32, #tpu.memory_space<hbm>>) offsets(%arg19 : memref<128xi32, #tpu.memory_space<vmem>>) semaphore(%arg30 : memref<!tpu.dma_semaphore, #tpu.memory_space<semaphore_mem>>)
    %dma_start3A_529 = arith.constant 0 : i32
    %dma_start3A_530 = tpu.memref_slice %arg25[%dma_start3A_529] : memref<256xf32, #tpu.memory_space<vmem>> -> memref<128xf32, #tpu.memory_space<vmem>>
    %dma_start3A_531 = arith.constant 0 : i32
    %dma_start3A_532 = tpu.memref_slice %arg13[%dma_start3A_531] : memref<8192xf32, #tpu.memory_space<hbm>> -> memref<8192xf32, #tpu.memory_space<hbm>>
    tpu.enqueue_indirect_dma source(%dma_start3A_530 : memref<128xf32, #tpu.memory_space<vmem>>) target(%dma_start3A_532 : memref<8192xf32, #tpu.memory_space<hbm>>) offsets(%arg18 : memref<128xi32, #tpu.memory_space<vmem>>) semaphore(%arg30 : memref<!tpu.dma_semaphore, #tpu.memory_space<semaphore_mem>>)
    %dma_start3A_533 = arith.constant 128 : i32
    %dma_start3A_534 = tpu.memref_slice %arg25[%dma_start3A_533] : memref<256xf32, #tpu.memory_space<vmem>> -> memref<128xf32, #tpu.memory_space<vmem>>
    %dma_start3A_535 = arith.constant 0 : i32
    %dma_start3A_536 = tpu.memref_slice %arg13[%dma_start3A_535] : memref<8192xf32, #tpu.memory_space<hbm>> -> memref<8192xf32, #tpu.memory_space<hbm>>
    tpu.enqueue_indirect_dma source(%dma_start3A_534 : memref<128xf32, #tpu.memory_space<vmem>>) target(%dma_start3A_536 : memref<8192xf32, #tpu.memory_space<hbm>>) offsets(%arg19 : memref<128xi32, #tpu.memory_space<vmem>>) semaphore(%arg30 : memref<!tpu.dma_semaphore, #tpu.memory_space<semaphore_mem>>)
    %dma_start3A_537 = arith.constant 0 : i32
    %dma_start3A_538 = tpu.memref_slice %arg26[%dma_start3A_537] : memref<256xf32, #tpu.memory_space<vmem>> -> memref<128xf32, #tpu.memory_space<vmem>>
    %dma_start3A_539 = arith.constant 0 : i32
    %dma_start3A_540 = tpu.memref_slice %arg14[%dma_start3A_539] : memref<8192xf32, #tpu.memory_space<hbm>> -> memref<8192xf32, #tpu.memory_space<hbm>>
    tpu.enqueue_indirect_dma source(%dma_start3A_538 : memref<128xf32, #tpu.memory_space<vmem>>) target(%dma_start3A_540 : memref<8192xf32, #tpu.memory_space<hbm>>) offsets(%arg18 : memref<128xi32, #tpu.memory_space<vmem>>) semaphore(%arg30 : memref<!tpu.dma_semaphore, #tpu.memory_space<semaphore_mem>>)
    %dma_start3A_541 = arith.constant 128 : i32
    %dma_start3A_542 = tpu.memref_slice %arg26[%dma_start3A_541] : memref<256xf32, #tpu.memory_space<vmem>> -> memref<128xf32, #tpu.memory_space<vmem>>
    %dma_start3A_543 = arith.constant 0 : i32
    %dma_start3A_544 = tpu.memref_slice %arg14[%dma_start3A_543] : memref<8192xf32, #tpu.memory_space<hbm>> -> memref<8192xf32, #tpu.memory_space<hbm>>
    tpu.enqueue_indirect_dma source(%dma_start3A_542 : memref<128xf32, #tpu.memory_space<vmem>>) target(%dma_start3A_544 : memref<8192xf32, #tpu.memory_space<hbm>>) offsets(%arg19 : memref<128xi32, #tpu.memory_space<vmem>>) semaphore(%arg30 : memref<!tpu.dma_semaphore, #tpu.memory_space<semaphore_mem>>)
    %dma_start3A_545 = arith.constant 0 : i32
    %dma_start3A_546 = tpu.memref_slice %arg28[%dma_start3A_545] : memref<256xf32, #tpu.memory_space<vmem>> -> memref<128xf32, #tpu.memory_space<vmem>>
    %dma_start3A_547 = arith.constant 0 : i32
    %dma_start3A_548 = tpu.memref_slice %arg15[%dma_start3A_547] : memref<8192xf32, #tpu.memory_space<hbm>> -> memref<8192xf32, #tpu.memory_space<hbm>>
    tpu.enqueue_indirect_dma source(%dma_start3A_546 : memref<128xf32, #tpu.memory_space<vmem>>) target(%dma_start3A_548 : memref<8192xf32, #tpu.memory_space<hbm>>) offsets(%arg18 : memref<128xi32, #tpu.memory_space<vmem>>) semaphore(%arg30 : memref<!tpu.dma_semaphore, #tpu.memory_space<semaphore_mem>>)
    %dma_start3A_549 = arith.constant 128 : i32
    %dma_start3A_550 = tpu.memref_slice %arg28[%dma_start3A_549] : memref<256xf32, #tpu.memory_space<vmem>> -> memref<128xf32, #tpu.memory_space<vmem>>
    %dma_start3A_551 = arith.constant 0 : i32
    %dma_start3A_552 = tpu.memref_slice %arg15[%dma_start3A_551] : memref<8192xf32, #tpu.memory_space<hbm>> -> memref<8192xf32, #tpu.memory_space<hbm>>
    tpu.enqueue_indirect_dma source(%dma_start3A_550 : memref<128xf32, #tpu.memory_space<vmem>>) target(%dma_start3A_552 : memref<8192xf32, #tpu.memory_space<hbm>>) offsets(%arg19 : memref<128xi32, #tpu.memory_space<vmem>>) semaphore(%arg30 : memref<!tpu.dma_semaphore, #tpu.memory_space<semaphore_mem>>)
    %dma_start3A_553 = arith.constant 0 : i32
    %dma_start3A_554 = tpu.memref_slice %arg27[%dma_start3A_553] : memref<256xi32, #tpu.memory_space<vmem>> -> memref<128xi32, #tpu.memory_space<vmem>>
    %dma_start3A_555 = arith.constant 0 : i32
    %dma_start3A_556 = tpu.memref_slice %arg16[%dma_start3A_555] : memref<8192xi32, #tpu.memory_space<hbm>> -> memref<8192xi32, #tpu.memory_space<hbm>>
    tpu.enqueue_indirect_dma source(%dma_start3A_554 : memref<128xi32, #tpu.memory_space<vmem>>) target(%dma_start3A_556 : memref<8192xi32, #tpu.memory_space<hbm>>) offsets(%arg18 : memref<128xi32, #tpu.memory_space<vmem>>) semaphore(%arg30 : memref<!tpu.dma_semaphore, #tpu.memory_space<semaphore_mem>>)
    %dma_start3A_557 = arith.constant 128 : i32
    %dma_start3A_558 = tpu.memref_slice %arg27[%dma_start3A_557] : memref<256xi32, #tpu.memory_space<vmem>> -> memref<128xi32, #tpu.memory_space<vmem>>
    %dma_start3A_559 = arith.constant 0 : i32
    %dma_start3A_560 = tpu.memref_slice %arg16[%dma_start3A_559] : memref<8192xi32, #tpu.memory_space<hbm>> -> memref<8192xi32, #tpu.memory_space<hbm>>
    tpu.enqueue_indirect_dma source(%dma_start3A_558 : memref<128xi32, #tpu.memory_space<vmem>>) target(%dma_start3A_560 : memref<8192xi32, #tpu.memory_space<hbm>>) offsets(%arg19 : memref<128xi32, #tpu.memory_space<vmem>>) semaphore(%arg30 : memref<!tpu.dma_semaphore, #tpu.memory_space<semaphore_mem>>)
    %dma_start3A_561 = arith.constant 0 : i32
    %dma_start3A_562 = tpu.memref_slice %arg29[%dma_start3A_561] : memref<256xf32, #tpu.memory_space<vmem>> -> memref<128xf32, #tpu.memory_space<vmem>>
    %dma_start3A_563 = arith.constant 0 : i32
    %dma_start3A_564 = tpu.memref_slice %arg17[%dma_start3A_563] : memref<8192xf32, #tpu.memory_space<hbm>> -> memref<8192xf32, #tpu.memory_space<hbm>>
    tpu.enqueue_indirect_dma source(%dma_start3A_562 : memref<128xf32, #tpu.memory_space<vmem>>) target(%dma_start3A_564 : memref<8192xf32, #tpu.memory_space<hbm>>) offsets(%arg18 : memref<128xi32, #tpu.memory_space<vmem>>) semaphore(%arg30 : memref<!tpu.dma_semaphore, #tpu.memory_space<semaphore_mem>>)
    %dma_start3A_565 = arith.constant 128 : i32
    %dma_start3A_566 = tpu.memref_slice %arg29[%dma_start3A_565] : memref<256xf32, #tpu.memory_space<vmem>> -> memref<128xf32, #tpu.memory_space<vmem>>
    %dma_start3A_567 = arith.constant 0 : i32
    %dma_start3A_568 = tpu.memref_slice %arg17[%dma_start3A_567] : memref<8192xf32, #tpu.memory_space<hbm>> -> memref<8192xf32, #tpu.memory_space<hbm>>
    tpu.enqueue_indirect_dma source(%dma_start3A_566 : memref<128xf32, #tpu.memory_space<vmem>>) target(%dma_start3A_568 : memref<8192xf32, #tpu.memory_space<hbm>>) offsets(%arg19 : memref<128xi32, #tpu.memory_space<vmem>>) semaphore(%arg30 : memref<!tpu.dma_semaphore, #tpu.memory_space<semaphore_mem>>)
    %dma_wait3A = arith.constant 0 : i32
    %dma_wait3A_569 = tpu.memref_slice %arg23[%dma_wait3A] : memref<256xf32, #tpu.memory_space<vmem>> -> memref<128xf32, #tpu.memory_space<vmem>>
    %dma_wait3A_570 = arith.constant 0 : i32
    %dma_wait3A_571 = tpu.memref_slice %arg11[%dma_wait3A_570] : memref<8192xf32, #tpu.memory_space<hbm>> -> memref<8192xf32, #tpu.memory_space<hbm>>
    tpu.wait_indirect_dma semaphore(%arg30 : memref<!tpu.dma_semaphore, #tpu.memory_space<semaphore_mem>>) src(%dma_wait3A_569 : memref<128xf32, #tpu.memory_space<vmem>>) dst(%dma_wait3A_571 : memref<8192xf32, #tpu.memory_space<hbm>>)
    %dma_wait3A_572 = arith.constant 128 : i32
    %dma_wait3A_573 = tpu.memref_slice %arg23[%dma_wait3A_572] : memref<256xf32, #tpu.memory_space<vmem>> -> memref<128xf32, #tpu.memory_space<vmem>>
    %dma_wait3A_574 = arith.constant 0 : i32
    %dma_wait3A_575 = tpu.memref_slice %arg11[%dma_wait3A_574] : memref<8192xf32, #tpu.memory_space<hbm>> -> memref<8192xf32, #tpu.memory_space<hbm>>
    tpu.wait_indirect_dma semaphore(%arg30 : memref<!tpu.dma_semaphore, #tpu.memory_space<semaphore_mem>>) src(%dma_wait3A_573 : memref<128xf32, #tpu.memory_space<vmem>>) dst(%dma_wait3A_575 : memref<8192xf32, #tpu.memory_space<hbm>>)
    %dma_wait3A_576 = arith.constant 0 : i32
    %dma_wait3A_577 = tpu.memref_slice %arg24[%dma_wait3A_576] : memref<256xf32, #tpu.memory_space<vmem>> -> memref<128xf32, #tpu.memory_space<vmem>>
    %dma_wait3A_578 = arith.constant 0 : i32
    %dma_wait3A_579 = tpu.memref_slice %arg12[%dma_wait3A_578] : memref<8192xf32, #tpu.memory_space<hbm>> -> memref<8192xf32, #tpu.memory_space<hbm>>
    tpu.wait_indirect_dma semaphore(%arg30 : memref<!tpu.dma_semaphore, #tpu.memory_space<semaphore_mem>>) src(%dma_wait3A_577 : memref<128xf32, #tpu.memory_space<vmem>>) dst(%dma_wait3A_579 : memref<8192xf32, #tpu.memory_space<hbm>>)
    %dma_wait3A_580 = arith.constant 128 : i32
    %dma_wait3A_581 = tpu.memref_slice %arg24[%dma_wait3A_580] : memref<256xf32, #tpu.memory_space<vmem>> -> memref<128xf32, #tpu.memory_space<vmem>>
    %dma_wait3A_582 = arith.constant 0 : i32
    %dma_wait3A_583 = tpu.memref_slice %arg12[%dma_wait3A_582] : memref<8192xf32, #tpu.memory_space<hbm>> -> memref<8192xf32, #tpu.memory_space<hbm>>
    tpu.wait_indirect_dma semaphore(%arg30 : memref<!tpu.dma_semaphore, #tpu.memory_space<semaphore_mem>>) src(%dma_wait3A_581 : memref<128xf32, #tpu.memory_space<vmem>>) dst(%dma_wait3A_583 : memref<8192xf32, #tpu.memory_space<hbm>>)
    %dma_wait3A_584 = arith.constant 0 : i32
    %dma_wait3A_585 = tpu.memref_slice %arg25[%dma_wait3A_584] : memref<256xf32, #tpu.memory_space<vmem>> -> memref<128xf32, #tpu.memory_space<vmem>>
    %dma_wait3A_586 = arith.constant 0 : i32
    %dma_wait3A_587 = tpu.memref_slice %arg13[%dma_wait3A_586] : memref<8192xf32, #tpu.memory_space<hbm>> -> memref<8192xf32, #tpu.memory_space<hbm>>
    tpu.wait_indirect_dma semaphore(%arg30 : memref<!tpu.dma_semaphore, #tpu.memory_space<semaphore_mem>>) src(%dma_wait3A_585 : memref<128xf32, #tpu.memory_space<vmem>>) dst(%dma_wait3A_587 : memref<8192xf32, #tpu.memory_space<hbm>>)
    %dma_wait3A_588 = arith.constant 128 : i32
    %dma_wait3A_589 = tpu.memref_slice %arg25[%dma_wait3A_588] : memref<256xf32, #tpu.memory_space<vmem>> -> memref<128xf32, #tpu.memory_space<vmem>>
    %dma_wait3A_590 = arith.constant 0 : i32
    %dma_wait3A_591 = tpu.memref_slice %arg13[%dma_wait3A_590] : memref<8192xf32, #tpu.memory_space<hbm>> -> memref<8192xf32, #tpu.memory_space<hbm>>
    tpu.wait_indirect_dma semaphore(%arg30 : memref<!tpu.dma_semaphore, #tpu.memory_space<semaphore_mem>>) src(%dma_wait3A_589 : memref<128xf32, #tpu.memory_space<vmem>>) dst(%dma_wait3A_591 : memref<8192xf32, #tpu.memory_space<hbm>>)
    %dma_wait3A_592 = arith.constant 0 : i32
    %dma_wait3A_593 = tpu.memref_slice %arg26[%dma_wait3A_592] : memref<256xf32, #tpu.memory_space<vmem>> -> memref<128xf32, #tpu.memory_space<vmem>>
    %dma_wait3A_594 = arith.constant 0 : i32
    %dma_wait3A_595 = tpu.memref_slice %arg14[%dma_wait3A_594] : memref<8192xf32, #tpu.memory_space<hbm>> -> memref<8192xf32, #tpu.memory_space<hbm>>
    tpu.wait_indirect_dma semaphore(%arg30 : memref<!tpu.dma_semaphore, #tpu.memory_space<semaphore_mem>>) src(%dma_wait3A_593 : memref<128xf32, #tpu.memory_space<vmem>>) dst(%dma_wait3A_595 : memref<8192xf32, #tpu.memory_space<hbm>>)
    %dma_wait3A_596 = arith.constant 128 : i32
    %dma_wait3A_597 = tpu.memref_slice %arg26[%dma_wait3A_596] : memref<256xf32, #tpu.memory_space<vmem>> -> memref<128xf32, #tpu.memory_space<vmem>>
    %dma_wait3A_598 = arith.constant 0 : i32
    %dma_wait3A_599 = tpu.memref_slice %arg14[%dma_wait3A_598] : memref<8192xf32, #tpu.memory_space<hbm>> -> memref<8192xf32, #tpu.memory_space<hbm>>
    tpu.wait_indirect_dma semaphore(%arg30 : memref<!tpu.dma_semaphore, #tpu.memory_space<semaphore_mem>>) src(%dma_wait3A_597 : memref<128xf32, #tpu.memory_space<vmem>>) dst(%dma_wait3A_599 : memref<8192xf32, #tpu.memory_space<hbm>>)
    %dma_wait3A_600 = arith.constant 0 : i32
    %dma_wait3A_601 = tpu.memref_slice %arg28[%dma_wait3A_600] : memref<256xf32, #tpu.memory_space<vmem>> -> memref<128xf32, #tpu.memory_space<vmem>>
    %dma_wait3A_602 = arith.constant 0 : i32
    %dma_wait3A_603 = tpu.memref_slice %arg15[%dma_wait3A_602] : memref<8192xf32, #tpu.memory_space<hbm>> -> memref<8192xf32, #tpu.memory_space<hbm>>
    tpu.wait_indirect_dma semaphore(%arg30 : memref<!tpu.dma_semaphore, #tpu.memory_space<semaphore_mem>>) src(%dma_wait3A_601 : memref<128xf32, #tpu.memory_space<vmem>>) dst(%dma_wait3A_603 : memref<8192xf32, #tpu.memory_space<hbm>>)
    %dma_wait3A_604 = arith.constant 128 : i32
    %dma_wait3A_605 = tpu.memref_slice %arg28[%dma_wait3A_604] : memref<256xf32, #tpu.memory_space<vmem>> -> memref<128xf32, #tpu.memory_space<vmem>>
    %dma_wait3A_606 = arith.constant 0 : i32
    %dma_wait3A_607 = tpu.memref_slice %arg15[%dma_wait3A_606] : memref<8192xf32, #tpu.memory_space<hbm>> -> memref<8192xf32, #tpu.memory_space<hbm>>
    tpu.wait_indirect_dma semaphore(%arg30 : memref<!tpu.dma_semaphore, #tpu.memory_space<semaphore_mem>>) src(%dma_wait3A_605 : memref<128xf32, #tpu.memory_space<vmem>>) dst(%dma_wait3A_607 : memref<8192xf32, #tpu.memory_space<hbm>>)
    %dma_wait3A_608 = arith.constant 0 : i32
    %dma_wait3A_609 = tpu.memref_slice %arg27[%dma_wait3A_608] : memref<256xi32, #tpu.memory_space<vmem>> -> memref<128xi32, #tpu.memory_space<vmem>>
    %dma_wait3A_610 = arith.constant 0 : i32
    %dma_wait3A_611 = tpu.memref_slice %arg16[%dma_wait3A_610] : memref<8192xi32, #tpu.memory_space<hbm>> -> memref<8192xi32, #tpu.memory_space<hbm>>
    tpu.wait_indirect_dma semaphore(%arg30 : memref<!tpu.dma_semaphore, #tpu.memory_space<semaphore_mem>>) src(%dma_wait3A_609 : memref<128xi32, #tpu.memory_space<vmem>>) dst(%dma_wait3A_611 : memref<8192xi32, #tpu.memory_space<hbm>>)
    %dma_wait3A_612 = arith.constant 128 : i32
    %dma_wait3A_613 = tpu.memref_slice %arg27[%dma_wait3A_612] : memref<256xi32, #tpu.memory_space<vmem>> -> memref<128xi32, #tpu.memory_space<vmem>>
    %dma_wait3A_614 = arith.constant 0 : i32
    %dma_wait3A_615 = tpu.memref_slice %arg16[%dma_wait3A_614] : memref<8192xi32, #tpu.memory_space<hbm>> -> memref<8192xi32, #tpu.memory_space<hbm>>
    tpu.wait_indirect_dma semaphore(%arg30 : memref<!tpu.dma_semaphore, #tpu.memory_space<semaphore_mem>>) src(%dma_wait3A_613 : memref<128xi32, #tpu.memory_space<vmem>>) dst(%dma_wait3A_615 : memref<8192xi32, #tpu.memory_space<hbm>>)
    %dma_wait3A_616 = arith.constant 0 : i32
    %dma_wait3A_617 = tpu.memref_slice %arg29[%dma_wait3A_616] : memref<256xf32, #tpu.memory_space<vmem>> -> memref<128xf32, #tpu.memory_space<vmem>>
    %dma_wait3A_618 = arith.constant 0 : i32
    %dma_wait3A_619 = tpu.memref_slice %arg17[%dma_wait3A_618] : memref<8192xf32, #tpu.memory_space<hbm>> -> memref<8192xf32, #tpu.memory_space<hbm>>
    tpu.wait_indirect_dma semaphore(%arg30 : memref<!tpu.dma_semaphore, #tpu.memory_space<semaphore_mem>>) src(%dma_wait3A_617 : memref<128xf32, #tpu.memory_space<vmem>>) dst(%dma_wait3A_619 : memref<8192xf32, #tpu.memory_space<hbm>>)
    %dma_wait3A_620 = arith.constant 128 : i32
    %dma_wait3A_621 = tpu.memref_slice %arg29[%dma_wait3A_620] : memref<256xf32, #tpu.memory_space<vmem>> -> memref<128xf32, #tpu.memory_space<vmem>>
    %dma_wait3A_622 = arith.constant 0 : i32
    %dma_wait3A_623 = tpu.memref_slice %arg17[%dma_wait3A_622] : memref<8192xf32, #tpu.memory_space<hbm>> -> memref<8192xf32, #tpu.memory_space<hbm>>
    tpu.wait_indirect_dma semaphore(%arg30 : memref<!tpu.dma_semaphore, #tpu.memory_space<semaphore_mem>>) src(%dma_wait3A_621 : memref<128xf32, #tpu.memory_space<vmem>>) dst(%dma_wait3A_623 : memref<8192xf32, #tpu.memory_space<hbm>>)
    return
  }
}

module attributes {stable_mosaic.version = 14 : i64} {
  func.func @_b1_body(%arg0: memref<196x128xf32, #tpu.memory_space<vmem>>, %arg1: memref<196x128xf32, #tpu.memory_space<vmem>>, %arg2: memref<196x128xf32, #tpu.memory_space<vmem>>, %arg3: memref<2x196x128xi32, #tpu.memory_space<vmem>>, %arg4: memref<2x196x128xf32, #tpu.memory_space<vmem>>, %arg5: memref<2x196x128xf32, #tpu.memory_space<vmem>>, %arg6: memref<2x196x128xi32, #tpu.memory_space<vmem>>) attributes {dimension_semantics = [], scalar_prefetch = 0 : i64, scratch_operands = 0 : i64, tpu.core_type = #tpu.core_type<tc>} {
    %get3A = arith.constant 0 : index
    %get3A_0 = arith.constant 0 : index
    %get3A_1 = vector.load %arg0[%get3A, %get3A_0] : memref<196x128xf32, #tpu.memory_space<vmem>>, vector<196x128xf32>
    %get3A_2 = arith.constant 0 : index
    %get3A_3 = arith.constant 0 : index
    %get3A_4 = vector.load %arg1[%get3A_2, %get3A_3] : memref<196x128xf32, #tpu.memory_space<vmem>>, vector<196x128xf32>
    %get3A_5 = arith.constant 0 : index
    %get3A_6 = arith.constant 0 : index
    %get3A_7 = vector.load %arg2[%get3A_5, %get3A_6] : memref<196x128xf32, #tpu.memory_space<vmem>>, vector<196x128xf32>
    %iota3A = tpu.iota {dimensions = array<i32: 1>} : vector<196x128xi32>
    %iota3A_8 = tpu.iota {dimensions = array<i32: 0>} : vector<196x128xi32>
    %jit3A = arith.constant 14 : i32
    %div3A = vector.broadcast %jit3A : i32 to vector<196x128xi32>
    %div3A_9 = arith.divsi %iota3A_8, %div3A : vector<196x128xi32>
    %sign3A = arith.constant 0 : i32
    %sign3A_10 = vector.broadcast %sign3A : i32 to vector<196x128xi32>
    %sign3A_11 = arith.cmpi sgt, %iota3A_8, %sign3A_10 : vector<196x128xi32>
    %sign3A_12 = arith.extui %sign3A_11 : vector<196x128xi1> to vector<196x128xi32>
    %sign3A_13 = arith.constant 0 : i32
    %sign3A_14 = vector.broadcast %sign3A_13 : i32 to vector<196x128xi32>
    %sign3A_15 = arith.cmpi slt, %iota3A_8, %sign3A_14 : vector<196x128xi32>
    %sign3A_16 = arith.extui %sign3A_15 : vector<196x128xi1> to vector<196x128xi32>
    %sign3A_17 = arith.subi %sign3A_12, %sign3A_16 : vector<196x128xi32>
    %sign3A_18 = arith.constant 0 : i32
    %sign3A_19 = arith.cmpi sgt, %jit3A, %sign3A_18 : i32
    %sign3A_20 = arith.extui %sign3A_19 : i1 to i32
    %sign3A_21 = arith.constant 0 : i32
    %sign3A_22 = arith.cmpi slt, %jit3A, %sign3A_21 : i32
    %sign3A_23 = arith.extui %sign3A_22 : i1 to i32
    %sign3A_24 = arith.subi %sign3A_20, %sign3A_23 : i32
    %ne3A = vector.broadcast %sign3A_24 : i32 to vector<196x128xi32>
    %ne3A_25 = arith.cmpi ne, %sign3A_17, %ne3A : vector<196x128xi32>
    %rem3A = vector.broadcast %jit3A : i32 to vector<196x128xi32>
    %rem3A_26 = arith.remsi %iota3A_8, %rem3A : vector<196x128xi32>
    %ne3A_27 = arith.constant 0 : i32
    %ne3A_28 = vector.broadcast %ne3A_27 : i32 to vector<196x128xi32>
    %ne3A_29 = arith.cmpi ne, %rem3A_26, %ne3A_28 : vector<196x128xi32>
    %and3A = arith.andi %ne3A_25, %ne3A_29 : vector<196x128xi1>
    %sub3A = arith.constant 1 : i32
    %sub3A_30 = vector.broadcast %sub3A : i32 to vector<196x128xi32>
    %sub3A_31 = arith.subi %div3A_9, %sub3A_30 : vector<196x128xi32>
    %select_n3A = arith.select %and3A, %sub3A_31, %div3A_9 : vector<196x128xi1>, vector<196x128xi32>
    %convert_element_type3A = arith.sitofp %select_n3A : vector<196x128xi32> to vector<196x128xf32>
    %jit3A_32 = arith.constant 14 : i32
    %eq3A = arith.constant 0 : i32
    %eq3A_33 = arith.cmpi eq, %jit3A_32, %eq3A : i32
    %jit3A_34 = arith.constant 1 : i32
    %select_n3A_35 = arith.select %eq3A_33, %jit3A_34, %jit3A_32 : i32
    %rem3A_36 = vector.broadcast %select_n3A_35 : i32 to vector<196x128xi32>
    %rem3A_37 = arith.remsi %iota3A_8, %rem3A_36 : vector<196x128xi32>
    %ne3A_38 = arith.constant 0 : i32
    %ne3A_39 = vector.broadcast %ne3A_38 : i32 to vector<196x128xi32>
    %ne3A_40 = arith.cmpi ne, %rem3A_37, %ne3A_39 : vector<196x128xi32>
    %lt3A = arith.constant 0 : i32
    %lt3A_41 = vector.broadcast %lt3A : i32 to vector<196x128xi32>
    %lt3A_42 = arith.cmpi slt, %rem3A_37, %lt3A_41 : vector<196x128xi32>
    %lt3A_43 = arith.constant 0 : i32
    %lt3A_44 = arith.cmpi slt, %select_n3A_35, %lt3A_43 : i32
    %ne3A_45 = vector.broadcast %lt3A_44 : i1 to vector<196x128xi1>
    %ne3A_46 = vector.broadcast %ne3A_45 : vector<196x128xi1> to vector<196x128xi1>
    %ne3A_47 = arith.xori %lt3A_42, %ne3A_46 : vector<196x128xi1>
    %and3A_48 = arith.andi %ne3A_47, %ne3A_40 : vector<196x128xi1>
    %add3A = vector.broadcast %select_n3A_35 : i32 to vector<196x128xi32>
    %add3A_49 = arith.addi %rem3A_37, %add3A : vector<196x128xi32>
    %select_n3A_50 = arith.select %and3A_48, %add3A_49, %rem3A_37 : vector<196x128xi1>, vector<196x128xi32>
    %convert_element_type3A_51 = arith.sitofp %select_n3A_50 : vector<196x128xi32> to vector<196x128xf32>
    %lt3A_52 = arith.constant 20 : i32
    %lt3A_53 = vector.broadcast %lt3A_52 : i32 to vector<196x128xi32>
    %lt3A_54 = arith.cmpi slt, %iota3A, %lt3A_53 : vector<196x128xi32>
    %slice3A = vector.extract_strided_slice %get3A_4 {offsets = [0, 0], sizes = [196, 1], strides = [1, 1]} : vector<196x128xf32> to vector<196x1xf32>
    %mul3A = vector.broadcast %slice3A : vector<196x1xf32> to vector<196x128xf32>
    %mul3A_55 = arith.mulf %get3A_1, %mul3A : vector<196x128xf32>
    %ge3A = arith.constant 8.000000e-25 : f32
    %ge3A_56 = vector.broadcast %ge3A : f32 to vector<196x128xf32>
    %ge3A_57 = arith.cmpf oge, %mul3A_55, %ge3A_56 : vector<196x128xf32>
    %and3A_58 = arith.andi %lt3A_54, %ge3A_57 : vector<196x128xi1>
    %jit3A_59 = arith.constant 0.000000e+00 : f32
    %broadcast_in_dim3A = vector.broadcast %jit3A_59 : f32 to vector<196x128xf32>
    %select_n3A_60 = arith.select %and3A_58, %mul3A_55, %broadcast_in_dim3A : vector<196x128xi1>, vector<196x128xf32>
    %bitcast_convert_type3A = tpu.bitcast %select_n3A_60 : vector<196x128xf32> -> vector<196x128xi32>
    %swap3A = arith.constant 0 : index
    %swap3A_61 = arith.constant 0 : index
    %swap3A_62 = arith.constant 0 : index
    %swap3A_63 = vector.load %arg3[%swap3A, %swap3A_61, %swap3A_62] : memref<2x196x128xi32, #tpu.memory_space<vmem>>, vector<1x196x128xi32>
    %swap3A_64 = vector.shape_cast %swap3A_63 : vector<1x196x128xi32> to vector<196x128xi32>
    %swap3A_65 = vector.shape_cast %bitcast_convert_type3A : vector<196x128xi32> to vector<1x196x128xi32>
    tpu.vector_store %arg3[%swap3A, %swap3A_61, %swap3A_62], %swap3A_65 {strides = array<i32>} : memref<2x196x128xi32, #tpu.memory_space<vmem>>, vector<1x196x128xi32>,
    %reduce_max3A = arith.constant dense<0xFF800000> : vector<196xf32>
    %reduce_max3A_66 = vector.multi_reduction <maximumf>, %select_n3A_60, %reduce_max3A [1] : vector<196x128xf32> to vector<196xf32>
    %broadcast_in_dim3A_67 = vector.shape_cast %reduce_max3A_66 : vector<196xf32> to vector<196x1xf32>
    %gt3A = arith.constant 0.000000e+00 : f32
    %gt3A_68 = vector.broadcast %gt3A : f32 to vector<196x1xf32>
    %gt3A_69 = arith.cmpf ogt, %broadcast_in_dim3A_67, %gt3A_68 : vector<196x1xf32>
    %eq3A_70 = vector.broadcast %broadcast_in_dim3A_67 : vector<196x1xf32> to vector<196x128xf32>
    %eq3A_71 = arith.cmpf oeq, %select_n3A_60, %eq3A_70 : vector<196x128xf32>
    %jit3A_72 = arith.constant 9999 : i32
    %broadcast_in_dim3A_73 = vector.broadcast %jit3A_72 : i32 to vector<196x128xi32>
    %select_n3A_74 = arith.select %eq3A_71, %iota3A, %broadcast_in_dim3A_73 : vector<196x128xi1>, vector<196x128xi32>
    %reduce_min3A = arith.constant dense<2147483647> : vector<196xi32>
    %reduce_min3A_75 = vector.multi_reduction <minsi>, %select_n3A_74, %reduce_min3A [1] : vector<196x128xi32> to vector<196xi32>
    %broadcast_in_dim3A_76 = vector.shape_cast %reduce_min3A_75 : vector<196xi32> to vector<196x1xi32>
    %jit3A_77 = arith.constant 0 : i32
    %broadcast_in_dim3A_78 = vector.broadcast %jit3A_77 : i32 to vector<196x1xi32>
    %select_n3A_79 = arith.select %gt3A_69, %broadcast_in_dim3A_76, %broadcast_in_dim3A_78 : vector<196x1xi1>, vector<196x1xi32>
    %gt3A_80 = arith.constant 0.000000e+00 : f32
    %gt3A_81 = vector.broadcast %gt3A_80 : f32 to vector<196x128xf32>
    %gt3A_82 = arith.cmpf ogt, %select_n3A_60, %gt3A_81 : vector<196x128xf32>
    %jit3A_83 = arith.constant 9999 : i32
    %broadcast_in_dim3A_84 = vector.broadcast %jit3A_83 : i32 to vector<196x128xi32>
    %select_n3A_85 = arith.select %gt3A_82, %iota3A, %broadcast_in_dim3A_84 : vector<196x128xi1>, vector<196x128xi32>
    %reduce_min3A_86 = arith.constant dense<2147483647> : vector<196xi32>
    %reduce_min3A_87 = vector.multi_reduction <minsi>, %select_n3A_85, %reduce_min3A_86 [1] : vector<196x128xi32> to vector<196xi32>
    %broadcast_in_dim3A_88 = vector.shape_cast %reduce_min3A_87 : vector<196xi32> to vector<196x1xi32>
    %jit3A_89 = arith.constant 0 : i32
    %broadcast_in_dim3A_90 = vector.broadcast %jit3A_89 : i32 to vector<196x1xi32>
    %select_n3A_91 = arith.select %gt3A_69, %broadcast_in_dim3A_88, %broadcast_in_dim3A_90 : vector<196x1xi1>, vector<196x1xi32>
    %eq3A_92 = vector.broadcast %select_n3A_79 : vector<196x1xi32> to vector<196x128xi32>
    %eq3A_93 = arith.cmpi eq, %iota3A, %eq3A_92 : vector<196x128xi32>
    %and3A_94 = vector.broadcast %gt3A_69 : vector<196x1xi1> to vector<196x128xi1>
    %and3A_95 = arith.andi %eq3A_93, %and3A_94 : vector<196x128xi1>
    %jit3A_96 = arith.constant 1.000000e+00 : f32
    %jit3A_97 = arith.constant 0.000000e+00 : f32
    %broadcast_in_dim3A_98 = vector.broadcast %jit3A_96 : f32 to vector<196x128xf32>
    %broadcast_in_dim3A_99 = vector.broadcast %jit3A_97 : f32 to vector<196x128xf32>
    %select_n3A_100 = arith.select %and3A_95, %broadcast_in_dim3A_98, %broadcast_in_dim3A_99 : vector<196x128xi1>, vector<196x128xf32>
    %swap3A_101 = arith.constant 0 : index
    %swap3A_102 = arith.constant 0 : index
    %swap3A_103 = arith.constant 0 : index
    %swap3A_104 = vector.load %arg4[%swap3A_101, %swap3A_102, %swap3A_103] : memref<2x196x128xf32, #tpu.memory_space<vmem>>, vector<1x196x128xf32>
    %swap3A_105 = vector.shape_cast %swap3A_104 : vector<1x196x128xf32> to vector<196x128xf32>
    %swap3A_106 = vector.shape_cast %select_n3A_100 : vector<196x128xf32> to vector<1x196x128xf32>
    tpu.vector_store %arg4[%swap3A_101, %swap3A_102, %swap3A_103], %swap3A_106 {strides = array<i32>} : memref<2x196x128xf32, #tpu.memory_space<vmem>>, vector<1x196x128xf32>,
    %mul3A_107 = arith.constant 2 : i32
    %mul3A_108 = vector.broadcast %mul3A_107 : i32 to vector<196x128xi32>
    %mul3A_109 = arith.muli %iota3A_8, %mul3A_108 : vector<196x128xi32>
    %add3A_110 = arith.constant 0 : i32
    %add3A_111 = vector.broadcast %add3A_110 : i32 to vector<196x128xi32>
    %add3A_112 = arith.addi %mul3A_109, %add3A_111 : vector<196x128xi32>
    %mul3A_113 = arith.constant 20 : i32
    %mul3A_114 = vector.broadcast %mul3A_113 : i32 to vector<196x128xi32>
    %mul3A_115 = arith.muli %add3A_112, %mul3A_114 : vector<196x128xi32>
    %add3A_116 = vector.broadcast %select_n3A_79 : vector<196x1xi32> to vector<196x128xi32>
    %add3A_117 = arith.addi %mul3A_115, %add3A_116 : vector<196x128xi32>
    %slice3A_118 = vector.extract_strided_slice %get3A_7 {offsets = [0, 0], sizes = [196, 1], strides = [1, 1]} : vector<196x128xf32> to vector<196x1xf32>
    %add3A_119 = vector.broadcast %slice3A_118 : vector<196x1xf32> to vector<196x128xf32>
    %add3A_120 = arith.addf %add3A_119, %convert_element_type3A : vector<196x128xf32>
    %div3A_121 = arith.constant 1.400000e+01 : f32
    %div3A_122 = vector.broadcast %div3A_121 : f32 to vector<196x128xf32>
    %div3A_123 = arith.divf %add3A_120, %div3A_122 : vector<196x128xf32>
    %mul3A_124 = arith.constant 4.480000e+02 : f32
    %mul3A_125 = vector.broadcast %mul3A_124 : f32 to vector<196x128xf32>
    %mul3A_126 = arith.mulf %div3A_123, %mul3A_125 : vector<196x128xf32>
    %slice3A_127 = vector.extract_strided_slice %get3A_7 {offsets = [0, 1], sizes = [196, 1], strides = [1, 1]} : vector<196x128xf32> to vector<196x1xf32>
    %add3A_128 = vector.broadcast %slice3A_127 : vector<196x1xf32> to vector<196x128xf32>
    %add3A_129 = arith.addf %add3A_128, %convert_element_type3A_51 : vector<196x128xf32>
    %div3A_130 = arith.constant 1.400000e+01 : f32
    %div3A_131 = vector.broadcast %div3A_130 : f32 to vector<196x128xf32>
    %div3A_132 = arith.divf %add3A_129, %div3A_131 : vector<196x128xf32>
    %mul3A_133 = arith.constant 4.480000e+02 : f32
    %mul3A_134 = vector.broadcast %mul3A_133 : f32 to vector<196x128xf32>
    %mul3A_135 = arith.mulf %div3A_132, %mul3A_134 : vector<196x128xf32>
    %slice3A_136 = vector.extract_strided_slice %get3A_7 {offsets = [0, 2], sizes = [196, 1], strides = [1, 1]} : vector<196x128xf32> to vector<196x1xf32>
    %square3A = arith.mulf %slice3A_136, %slice3A_136 : vector<196x1xf32>
    %mul3A_137 = arith.constant 4.480000e+02 : f32
    %mul3A_138 = vector.broadcast %mul3A_137 : f32 to vector<196x1xf32>
    %mul3A_139 = arith.mulf %square3A, %mul3A_138 : vector<196x1xf32>
    %slice3A_140 = vector.extract_strided_slice %get3A_7 {offsets = [0, 3], sizes = [196, 1], strides = [1, 1]} : vector<196x128xf32> to vector<196x1xf32>
    %square3A_141 = arith.mulf %slice3A_140, %slice3A_140 : vector<196x1xf32>
    %mul3A_142 = arith.constant 4.480000e+02 : f32
    %mul3A_143 = vector.broadcast %mul3A_142 : f32 to vector<196x1xf32>
    %mul3A_144 = arith.mulf %square3A_141, %mul3A_143 : vector<196x1xf32>
    %eq3A_145 = arith.constant 0 : i32
    %eq3A_146 = vector.broadcast %eq3A_145 : i32 to vector<196x128xi32>
    %eq3A_147 = arith.cmpi eq, %iota3A, %eq3A_146 : vector<196x128xi32>
    %jit3A_148 = arith.constant 0.000000e+00 : f32
    %broadcast_in_dim3A_149 = vector.broadcast %jit3A_148 : f32 to vector<196x128xf32>
    %select_n3A_150 = arith.select %eq3A_147, %mul3A_126, %broadcast_in_dim3A_149 : vector<196x128xi1>, vector<196x128xf32>
    %eq3A_151 = arith.constant 1 : i32
    %eq3A_152 = vector.broadcast %eq3A_151 : i32 to vector<196x128xi32>
    %eq3A_153 = arith.cmpi eq, %iota3A, %eq3A_152 : vector<196x128xi32>
    %jit3A_154 = arith.constant 0.000000e+00 : f32
    %broadcast_in_dim3A_155 = vector.broadcast %jit3A_154 : f32 to vector<196x128xf32>
    %select_n3A_156 = arith.select %eq3A_153, %mul3A_135, %broadcast_in_dim3A_155 : vector<196x128xi1>, vector<196x128xf32>
    %add3A_157 = arith.addf %select_n3A_150, %select_n3A_156 : vector<196x128xf32>
    %eq3A_158 = arith.constant 2 : i32
    %eq3A_159 = vector.broadcast %eq3A_158 : i32 to vector<196x128xi32>
    %eq3A_160 = arith.cmpi eq, %iota3A, %eq3A_159 : vector<196x128xi32>
    %jit3A_161 = arith.constant 0.000000e+00 : f32
    %broadcast_in_dim3A_162 = vector.shape_cast %mul3A_139 : vector<196x1xf32> to vector<196x1xf32>
    %broadcast_in_dim3A_163 = vector.broadcast %broadcast_in_dim3A_162 : vector<196x1xf32> to vector<196x128xf32>
    %broadcast_in_dim3A_164 = vector.broadcast %jit3A_161 : f32 to vector<196x128xf32>
    %select_n3A_165 = arith.select %eq3A_160, %broadcast_in_dim3A_163, %broadcast_in_dim3A_164 : vector<196x128xi1>, vector<196x128xf32>
    %add3A_166 = arith.addf %add3A_157, %select_n3A_165 : vector<196x128xf32>
    %eq3A_167 = arith.constant 3 : i32
    %eq3A_168 = vector.broadcast %eq3A_167 : i32 to vector<196x128xi32>
    %eq3A_169 = arith.cmpi eq, %iota3A, %eq3A_168 : vector<196x128xi32>
    %jit3A_170 = arith.constant 0.000000e+00 : f32
    %broadcast_in_dim3A_171 = vector.shape_cast %mul3A_144 : vector<196x1xf32> to vector<196x1xf32>
    %broadcast_in_dim3A_172 = vector.broadcast %broadcast_in_dim3A_171 : vector<196x1xf32> to vector<196x128xf32>
    %broadcast_in_dim3A_173 = vector.broadcast %jit3A_170 : f32 to vector<196x128xf32>
    %select_n3A_174 = arith.select %eq3A_169, %broadcast_in_dim3A_172, %broadcast_in_dim3A_173 : vector<196x128xi1>, vector<196x128xf32>
    %add3A_175 = arith.addf %add3A_166, %select_n3A_174 : vector<196x128xf32>
    %eq3A_176 = arith.constant 4 : i32
    %eq3A_177 = vector.broadcast %eq3A_176 : i32 to vector<196x128xi32>
    %eq3A_178 = arith.cmpi eq, %iota3A, %eq3A_177 : vector<196x128xi32>
    %broadcast_in_dim3A_179 = vector.shape_cast %broadcast_in_dim3A_67 : vector<196x1xf32> to vector<196x1xf32>
    %broadcast_in_dim3A_180 = vector.broadcast %broadcast_in_dim3A_179 : vector<196x1xf32> to vector<196x128xf32>
    %jit3A_181 = arith.constant 0.000000e+00 : f32
    %broadcast_in_dim3A_182 = vector.broadcast %jit3A_181 : f32 to vector<196x128xf32>
    %select_n3A_183 = arith.select %eq3A_178, %broadcast_in_dim3A_180, %broadcast_in_dim3A_182 : vector<196x128xi1>, vector<196x128xf32>
    %add3A_184 = arith.addf %add3A_175, %select_n3A_183 : vector<196x128xf32>
    %swap3A_185 = arith.constant 0 : index
    %swap3A_186 = arith.constant 0 : index
    %swap3A_187 = arith.constant 0 : index
    %swap3A_188 = vector.load %arg5[%swap3A_185, %swap3A_186, %swap3A_187] : memref<2x196x128xf32, #tpu.memory_space<vmem>>, vector<1x196x128xf32>
    %swap3A_189 = vector.shape_cast %swap3A_188 : vector<1x196x128xf32> to vector<196x128xf32>
    %swap3A_190 = vector.shape_cast %add3A_184 : vector<196x128xf32> to vector<1x196x128xf32>
    tpu.vector_store %arg5[%swap3A_185, %swap3A_186, %swap3A_187], %swap3A_190 {strides = array<i32>} : memref<2x196x128xf32, #tpu.memory_space<vmem>>, vector<1x196x128xf32>,
    %eq3A_191 = arith.constant 0 : i32
    %eq3A_192 = vector.broadcast %eq3A_191 : i32 to vector<196x128xi32>
    %eq3A_193 = arith.cmpi eq, %iota3A, %eq3A_192 : vector<196x128xi32>
    %jit3A_194 = arith.constant 0 : i32
    %broadcast_in_dim3A_195 = vector.shape_cast %select_n3A_79 : vector<196x1xi32> to vector<196x1xi32>
    %broadcast_in_dim3A_196 = vector.broadcast %broadcast_in_dim3A_195 : vector<196x1xi32> to vector<196x128xi32>
    %broadcast_in_dim3A_197 = vector.broadcast %jit3A_194 : i32 to vector<196x128xi32>
    %select_n3A_198 = arith.select %eq3A_193, %broadcast_in_dim3A_196, %broadcast_in_dim3A_197 : vector<196x128xi1>, vector<196x128xi32>
    %eq3A_199 = arith.constant 1 : i32
    %eq3A_200 = vector.broadcast %eq3A_199 : i32 to vector<196x128xi32>
    %eq3A_201 = arith.cmpi eq, %iota3A, %eq3A_200 : vector<196x128xi32>
    %jit3A_202 = arith.constant 0 : i32
    %broadcast_in_dim3A_203 = vector.shape_cast %select_n3A_91 : vector<196x1xi32> to vector<196x1xi32>
    %broadcast_in_dim3A_204 = vector.broadcast %broadcast_in_dim3A_203 : vector<196x1xi32> to vector<196x128xi32>
    %broadcast_in_dim3A_205 = vector.broadcast %jit3A_202 : i32 to vector<196x128xi32>
    %select_n3A_206 = arith.select %eq3A_201, %broadcast_in_dim3A_204, %broadcast_in_dim3A_205 : vector<196x128xi1>, vector<196x128xi32>
    %add3A_207 = arith.addi %select_n3A_198, %select_n3A_206 : vector<196x128xi32>
    %eq3A_208 = arith.constant 2 : i32
    %eq3A_209 = vector.broadcast %eq3A_208 : i32 to vector<196x128xi32>
    %eq3A_210 = arith.cmpi eq, %iota3A, %eq3A_209 : vector<196x128xi32>
    %jit3A_211 = arith.constant 0 : i32
    %broadcast_in_dim3A_212 = vector.broadcast %jit3A_211 : i32 to vector<196x128xi32>
    %select_n3A_213 = arith.select %eq3A_210, %add3A_117, %broadcast_in_dim3A_212 : vector<196x128xi1>, vector<196x128xi32>
    %add3A_214 = arith.addi %add3A_207, %select_n3A_213 : vector<196x128xi32>
    %swap3A_215 = arith.constant 0 : index
    %swap3A_216 = arith.constant 0 : index
    %swap3A_217 = arith.constant 0 : index
    %swap3A_218 = vector.load %arg6[%swap3A_215, %swap3A_216, %swap3A_217] : memref<2x196x128xi32, #tpu.memory_space<vmem>>, vector<1x196x128xi32>
    %swap3A_219 = vector.shape_cast %swap3A_218 : vector<1x196x128xi32> to vector<196x128xi32>
    %swap3A_220 = vector.shape_cast %add3A_214 : vector<196x128xi32> to vector<1x196x128xi32>
    tpu.vector_store %arg6[%swap3A_215, %swap3A_216, %swap3A_217], %swap3A_220 {strides = array<i32>} : memref<2x196x128xi32, #tpu.memory_space<vmem>>, vector<1x196x128xi32>,
    %slice3A_221 = vector.extract_strided_slice %get3A_4 {offsets = [0, 1], sizes = [196, 1], strides = [1, 1]} : vector<196x128xf32> to vector<196x1xf32>
    %mul3A_222 = vector.broadcast %slice3A_221 : vector<196x1xf32> to vector<196x128xf32>
    %mul3A_223 = arith.mulf %get3A_1, %mul3A_222 : vector<196x128xf32>
    %ge3A_224 = arith.constant 8.000000e-25 : f32
    %ge3A_225 = vector.broadcast %ge3A_224 : f32 to vector<196x128xf32>
    %ge3A_226 = arith.cmpf oge, %mul3A_223, %ge3A_225 : vector<196x128xf32>
    %and3A_227 = arith.andi %lt3A_54, %ge3A_226 : vector<196x128xi1>
    %jit3A_228 = arith.constant 0.000000e+00 : f32
    %broadcast_in_dim3A_229 = vector.broadcast %jit3A_228 : f32 to vector<196x128xf32>
    %select_n3A_230 = arith.select %and3A_227, %mul3A_223, %broadcast_in_dim3A_229 : vector<196x128xi1>, vector<196x128xf32>
    %bitcast_convert_type3A_231 = tpu.bitcast %select_n3A_230 : vector<196x128xf32> -> vector<196x128xi32>
    %swap3A_232 = arith.constant 1 : index
    %swap3A_233 = arith.constant 0 : index
    %swap3A_234 = arith.constant 0 : index
    %swap3A_235 = vector.load %arg3[%swap3A_232, %swap3A_233, %swap3A_234] : memref<2x196x128xi32, #tpu.memory_space<vmem>>, vector<1x196x128xi32>
    %swap3A_236 = vector.shape_cast %swap3A_235 : vector<1x196x128xi32> to vector<196x128xi32>
    %swap3A_237 = vector.shape_cast %bitcast_convert_type3A_231 : vector<196x128xi32> to vector<1x196x128xi32>
    tpu.vector_store %arg3[%swap3A_232, %swap3A_233, %swap3A_234], %swap3A_237 {strides = array<i32>} : memref<2x196x128xi32, #tpu.memory_space<vmem>>, vector<1x196x128xi32>,
    %reduce_max3A_238 = arith.constant dense<0xFF800000> : vector<196xf32>
    %reduce_max3A_239 = vector.multi_reduction <maximumf>, %select_n3A_230, %reduce_max3A_238 [1] : vector<196x128xf32> to vector<196xf32>
    %broadcast_in_dim3A_240 = vector.shape_cast %reduce_max3A_239 : vector<196xf32> to vector<196x1xf32>
    %gt3A_241 = arith.constant 0.000000e+00 : f32
    %gt3A_242 = vector.broadcast %gt3A_241 : f32 to vector<196x1xf32>
    %gt3A_243 = arith.cmpf ogt, %broadcast_in_dim3A_240, %gt3A_242 : vector<196x1xf32>
    %eq3A_244 = vector.broadcast %broadcast_in_dim3A_240 : vector<196x1xf32> to vector<196x128xf32>
    %eq3A_245 = arith.cmpf oeq, %select_n3A_230, %eq3A_244 : vector<196x128xf32>
    %jit3A_246 = arith.constant 9999 : i32
    %broadcast_in_dim3A_247 = vector.broadcast %jit3A_246 : i32 to vector<196x128xi32>
    %select_n3A_248 = arith.select %eq3A_245, %iota3A, %broadcast_in_dim3A_247 : vector<196x128xi1>, vector<196x128xi32>
    %reduce_min3A_249 = arith.constant dense<2147483647> : vector<196xi32>
    %reduce_min3A_250 = vector.multi_reduction <minsi>, %select_n3A_248, %reduce_min3A_249 [1] : vector<196x128xi32> to vector<196xi32>
    %broadcast_in_dim3A_251 = vector.shape_cast %reduce_min3A_250 : vector<196xi32> to vector<196x1xi32>
    %jit3A_252 = arith.constant 0 : i32
    %broadcast_in_dim3A_253 = vector.broadcast %jit3A_252 : i32 to vector<196x1xi32>
    %select_n3A_254 = arith.select %gt3A_243, %broadcast_in_dim3A_251, %broadcast_in_dim3A_253 : vector<196x1xi1>, vector<196x1xi32>
    %gt3A_255 = arith.constant 0.000000e+00 : f32
    %gt3A_256 = vector.broadcast %gt3A_255 : f32 to vector<196x128xf32>
    %gt3A_257 = arith.cmpf ogt, %select_n3A_230, %gt3A_256 : vector<196x128xf32>
    %jit3A_258 = arith.constant 9999 : i32
    %broadcast_in_dim3A_259 = vector.broadcast %jit3A_258 : i32 to vector<196x128xi32>
    %select_n3A_260 = arith.select %gt3A_257, %iota3A, %broadcast_in_dim3A_259 : vector<196x128xi1>, vector<196x128xi32>
    %reduce_min3A_261 = arith.constant dense<2147483647> : vector<196xi32>
    %reduce_min3A_262 = vector.multi_reduction <minsi>, %select_n3A_260, %reduce_min3A_261 [1] : vector<196x128xi32> to vector<196xi32>
    %broadcast_in_dim3A_263 = vector.shape_cast %reduce_min3A_262 : vector<196xi32> to vector<196x1xi32>
    %jit3A_264 = arith.constant 0 : i32
    %broadcast_in_dim3A_265 = vector.broadcast %jit3A_264 : i32 to vector<196x1xi32>
    %select_n3A_266 = arith.select %gt3A_243, %broadcast_in_dim3A_263, %broadcast_in_dim3A_265 : vector<196x1xi1>, vector<196x1xi32>
    %eq3A_267 = vector.broadcast %select_n3A_254 : vector<196x1xi32> to vector<196x128xi32>
    %eq3A_268 = arith.cmpi eq, %iota3A, %eq3A_267 : vector<196x128xi32>
    %and3A_269 = vector.broadcast %gt3A_243 : vector<196x1xi1> to vector<196x128xi1>
    %and3A_270 = arith.andi %eq3A_268, %and3A_269 : vector<196x128xi1>
    %jit3A_271 = arith.constant 1.000000e+00 : f32
    %jit3A_272 = arith.constant 0.000000e+00 : f32
    %broadcast_in_dim3A_273 = vector.broadcast %jit3A_271 : f32 to vector<196x128xf32>
    %broadcast_in_dim3A_274 = vector.broadcast %jit3A_272 : f32 to vector<196x128xf32>
    %select_n3A_275 = arith.select %and3A_270, %broadcast_in_dim3A_273, %broadcast_in_dim3A_274 : vector<196x128xi1>, vector<196x128xf32>
    %swap3A_276 = arith.constant 1 : index
    %swap3A_277 = arith.constant 0 : index
    %swap3A_278 = arith.constant 0 : index
    %swap3A_279 = vector.load %arg4[%swap3A_276, %swap3A_277, %swap3A_278] : memref<2x196x128xf32, #tpu.memory_space<vmem>>, vector<1x196x128xf32>
    %swap3A_280 = vector.shape_cast %swap3A_279 : vector<1x196x128xf32> to vector<196x128xf32>
    %swap3A_281 = vector.shape_cast %select_n3A_275 : vector<196x128xf32> to vector<1x196x128xf32>
    tpu.vector_store %arg4[%swap3A_276, %swap3A_277, %swap3A_278], %swap3A_281 {strides = array<i32>} : memref<2x196x128xf32, #tpu.memory_space<vmem>>, vector<1x196x128xf32>,
    %mul3A_282 = arith.constant 2 : i32
    %mul3A_283 = vector.broadcast %mul3A_282 : i32 to vector<196x128xi32>
    %mul3A_284 = arith.muli %iota3A_8, %mul3A_283 : vector<196x128xi32>
    %add3A_285 = arith.constant 1 : i32
    %add3A_286 = vector.broadcast %add3A_285 : i32 to vector<196x128xi32>
    %add3A_287 = arith.addi %mul3A_284, %add3A_286 : vector<196x128xi32>
    %mul3A_288 = arith.constant 20 : i32
    %mul3A_289 = vector.broadcast %mul3A_288 : i32 to vector<196x128xi32>
    %mul3A_290 = arith.muli %add3A_287, %mul3A_289 : vector<196x128xi32>
    %add3A_291 = vector.broadcast %select_n3A_254 : vector<196x1xi32> to vector<196x128xi32>
    %add3A_292 = arith.addi %mul3A_290, %add3A_291 : vector<196x128xi32>
    %slice3A_293 = vector.extract_strided_slice %get3A_7 {offsets = [0, 4], sizes = [196, 1], strides = [1, 1]} : vector<196x128xf32> to vector<196x1xf32>
    %add3A_294 = vector.broadcast %slice3A_293 : vector<196x1xf32> to vector<196x128xf32>
    %add3A_295 = arith.addf %add3A_294, %convert_element_type3A : vector<196x128xf32>
    %div3A_296 = arith.constant 1.400000e+01 : f32
    %div3A_297 = vector.broadcast %div3A_296 : f32 to vector<196x128xf32>
    %div3A_298 = arith.divf %add3A_295, %div3A_297 : vector<196x128xf32>
    %mul3A_299 = arith.constant 4.480000e+02 : f32
    %mul3A_300 = vector.broadcast %mul3A_299 : f32 to vector<196x128xf32>
    %mul3A_301 = arith.mulf %div3A_298, %mul3A_300 : vector<196x128xf32>
    %slice3A_302 = vector.extract_strided_slice %get3A_7 {offsets = [0, 5], sizes = [196, 1], strides = [1, 1]} : vector<196x128xf32> to vector<196x1xf32>
    %add3A_303 = vector.broadcast %slice3A_302 : vector<196x1xf32> to vector<196x128xf32>
    %add3A_304 = arith.addf %add3A_303, %convert_element_type3A_51 : vector<196x128xf32>
    %div3A_305 = arith.constant 1.400000e+01 : f32
    %div3A_306 = vector.broadcast %div3A_305 : f32 to vector<196x128xf32>
    %div3A_307 = arith.divf %add3A_304, %div3A_306 : vector<196x128xf32>
    %mul3A_308 = arith.constant 4.480000e+02 : f32
    %mul3A_309 = vector.broadcast %mul3A_308 : f32 to vector<196x128xf32>
    %mul3A_310 = arith.mulf %div3A_307, %mul3A_309 : vector<196x128xf32>
    %slice3A_311 = vector.extract_strided_slice %get3A_7 {offsets = [0, 6], sizes = [196, 1], strides = [1, 1]} : vector<196x128xf32> to vector<196x1xf32>
    %square3A_312 = arith.mulf %slice3A_311, %slice3A_311 : vector<196x1xf32>
    %mul3A_313 = arith.constant 4.480000e+02 : f32
    %mul3A_314 = vector.broadcast %mul3A_313 : f32 to vector<196x1xf32>
    %mul3A_315 = arith.mulf %square3A_312, %mul3A_314 : vector<196x1xf32>
    %slice3A_316 = vector.extract_strided_slice %get3A_7 {offsets = [0, 7], sizes = [196, 1], strides = [1, 1]} : vector<196x128xf32> to vector<196x1xf32>
    %square3A_317 = arith.mulf %slice3A_316, %slice3A_316 : vector<196x1xf32>
    %mul3A_318 = arith.constant 4.480000e+02 : f32
    %mul3A_319 = vector.broadcast %mul3A_318 : f32 to vector<196x1xf32>
    %mul3A_320 = arith.mulf %square3A_317, %mul3A_319 : vector<196x1xf32>
    %eq3A_321 = arith.constant 0 : i32
    %eq3A_322 = vector.broadcast %eq3A_321 : i32 to vector<196x128xi32>
    %eq3A_323 = arith.cmpi eq, %iota3A, %eq3A_322 : vector<196x128xi32>
    %jit3A_324 = arith.constant 0.000000e+00 : f32
    %broadcast_in_dim3A_325 = vector.broadcast %jit3A_324 : f32 to vector<196x128xf32>
    %select_n3A_326 = arith.select %eq3A_323, %mul3A_301, %broadcast_in_dim3A_325 : vector<196x128xi1>, vector<196x128xf32>
    %eq3A_327 = arith.constant 1 : i32
    %eq3A_328 = vector.broadcast %eq3A_327 : i32 to vector<196x128xi32>
    %eq3A_329 = arith.cmpi eq, %iota3A, %eq3A_328 : vector<196x128xi32>
    %jit3A_330 = arith.constant 0.000000e+00 : f32
    %broadcast_in_dim3A_331 = vector.broadcast %jit3A_330 : f32 to vector<196x128xf32>
    %select_n3A_332 = arith.select %eq3A_329, %mul3A_310, %broadcast_in_dim3A_331 : vector<196x128xi1>, vector<196x128xf32>
    %add3A_333 = arith.addf %select_n3A_326, %select_n3A_332 : vector<196x128xf32>
    %eq3A_334 = arith.constant 2 : i32
    %eq3A_335 = vector.broadcast %eq3A_334 : i32 to vector<196x128xi32>
    %eq3A_336 = arith.cmpi eq, %iota3A, %eq3A_335 : vector<196x128xi32>
    %jit3A_337 = arith.constant 0.000000e+00 : f32
    %broadcast_in_dim3A_338 = vector.shape_cast %mul3A_315 : vector<196x1xf32> to vector<196x1xf32>
    %broadcast_in_dim3A_339 = vector.broadcast %broadcast_in_dim3A_338 : vector<196x1xf32> to vector<196x128xf32>
    %broadcast_in_dim3A_340 = vector.broadcast %jit3A_337 : f32 to vector<196x128xf32>
    %select_n3A_341 = arith.select %eq3A_336, %broadcast_in_dim3A_339, %broadcast_in_dim3A_340 : vector<196x128xi1>, vector<196x128xf32>
    %add3A_342 = arith.addf %add3A_333, %select_n3A_341 : vector<196x128xf32>
    %eq3A_343 = arith.constant 3 : i32
    %eq3A_344 = vector.broadcast %eq3A_343 : i32 to vector<196x128xi32>
    %eq3A_345 = arith.cmpi eq, %iota3A, %eq3A_344 : vector<196x128xi32>
    %jit3A_346 = arith.constant 0.000000e+00 : f32
    %broadcast_in_dim3A_347 = vector.shape_cast %mul3A_320 : vector<196x1xf32> to vector<196x1xf32>
    %broadcast_in_dim3A_348 = vector.broadcast %broadcast_in_dim3A_347 : vector<196x1xf32> to vector<196x128xf32>
    %broadcast_in_dim3A_349 = vector.broadcast %jit3A_346 : f32 to vector<196x128xf32>
    %select_n3A_350 = arith.select %eq3A_345, %broadcast_in_dim3A_348, %broadcast_in_dim3A_349 : vector<196x128xi1>, vector<196x128xf32>
    %add3A_351 = arith.addf %add3A_342, %select_n3A_350 : vector<196x128xf32>
    %eq3A_352 = arith.constant 4 : i32
    %eq3A_353 = vector.broadcast %eq3A_352 : i32 to vector<196x128xi32>
    %eq3A_354 = arith.cmpi eq, %iota3A, %eq3A_353 : vector<196x128xi32>
    %broadcast_in_dim3A_355 = vector.shape_cast %broadcast_in_dim3A_240 : vector<196x1xf32> to vector<196x1xf32>
    %broadcast_in_dim3A_356 = vector.broadcast %broadcast_in_dim3A_355 : vector<196x1xf32> to vector<196x128xf32>
    %jit3A_357 = arith.constant 0.000000e+00 : f32
    %broadcast_in_dim3A_358 = vector.broadcast %jit3A_357 : f32 to vector<196x128xf32>
    %select_n3A_359 = arith.select %eq3A_354, %broadcast_in_dim3A_356, %broadcast_in_dim3A_358 : vector<196x128xi1>, vector<196x128xf32>
    %add3A_360 = arith.addf %add3A_351, %select_n3A_359 : vector<196x128xf32>
    %swap3A_361 = arith.constant 1 : index
    %swap3A_362 = arith.constant 0 : index
    %swap3A_363 = arith.constant 0 : index
    %swap3A_364 = vector.load %arg5[%swap3A_361, %swap3A_362, %swap3A_363] : memref<2x196x128xf32, #tpu.memory_space<vmem>>, vector<1x196x128xf32>
    %swap3A_365 = vector.shape_cast %swap3A_364 : vector<1x196x128xf32> to vector<196x128xf32>
    %swap3A_366 = vector.shape_cast %add3A_360 : vector<196x128xf32> to vector<1x196x128xf32>
    tpu.vector_store %arg5[%swap3A_361, %swap3A_362, %swap3A_363], %swap3A_366 {strides = array<i32>} : memref<2x196x128xf32, #tpu.memory_space<vmem>>, vector<1x196x128xf32>,
    %eq3A_367 = arith.constant 0 : i32
    %eq3A_368 = vector.broadcast %eq3A_367 : i32 to vector<196x128xi32>
    %eq3A_369 = arith.cmpi eq, %iota3A, %eq3A_368 : vector<196x128xi32>
    %jit3A_370 = arith.constant 0 : i32
    %broadcast_in_dim3A_371 = vector.shape_cast %select_n3A_254 : vector<196x1xi32> to vector<196x1xi32>
    %broadcast_in_dim3A_372 = vector.broadcast %broadcast_in_dim3A_371 : vector<196x1xi32> to vector<196x128xi32>
    %broadcast_in_dim3A_373 = vector.broadcast %jit3A_370 : i32 to vector<196x128xi32>
    %select_n3A_374 = arith.select %eq3A_369, %broadcast_in_dim3A_372, %broadcast_in_dim3A_373 : vector<196x128xi1>, vector<196x128xi32>
    %eq3A_375 = arith.constant 1 : i32
    %eq3A_376 = vector.broadcast %eq3A_375 : i32 to vector<196x128xi32>
    %eq3A_377 = arith.cmpi eq, %iota3A, %eq3A_376 : vector<196x128xi32>
    %jit3A_378 = arith.constant 0 : i32
    %broadcast_in_dim3A_379 = vector.shape_cast %select_n3A_266 : vector<196x1xi32> to vector<196x1xi32>
    %broadcast_in_dim3A_380 = vector.broadcast %broadcast_in_dim3A_379 : vector<196x1xi32> to vector<196x128xi32>
    %broadcast_in_dim3A_381 = vector.broadcast %jit3A_378 : i32 to vector<196x128xi32>
    %select_n3A_382 = arith.select %eq3A_377, %broadcast_in_dim3A_380, %broadcast_in_dim3A_381 : vector<196x128xi1>, vector<196x128xi32>
    %add3A_383 = arith.addi %select_n3A_374, %select_n3A_382 : vector<196x128xi32>
    %eq3A_384 = arith.constant 2 : i32
    %eq3A_385 = vector.broadcast %eq3A_384 : i32 to vector<196x128xi32>
    %eq3A_386 = arith.cmpi eq, %iota3A, %eq3A_385 : vector<196x128xi32>
    %jit3A_387 = arith.constant 0 : i32
    %broadcast_in_dim3A_388 = vector.broadcast %jit3A_387 : i32 to vector<196x128xi32>
    %select_n3A_389 = arith.select %eq3A_386, %add3A_292, %broadcast_in_dim3A_388 : vector<196x128xi1>, vector<196x128xi32>
    %add3A_390 = arith.addi %add3A_383, %select_n3A_389 : vector<196x128xi32>
    %swap3A_391 = arith.constant 1 : index
    %swap3A_392 = arith.constant 0 : index
    %swap3A_393 = arith.constant 0 : index
    %swap3A_394 = vector.load %arg6[%swap3A_391, %swap3A_392, %swap3A_393] : memref<2x196x128xi32, #tpu.memory_space<vmem>>, vector<1x196x128xi32>
    %swap3A_395 = vector.shape_cast %swap3A_394 : vector<1x196x128xi32> to vector<196x128xi32>
    %swap3A_396 = vector.shape_cast %add3A_390 : vector<196x128xi32> to vector<1x196x128xi32>
    tpu.vector_store %arg6[%swap3A_391, %swap3A_392, %swap3A_393], %swap3A_396 {strides = array<i32>} : memref<2x196x128xi32, #tpu.memory_space<vmem>>, vector<1x196x128xi32>,
    return
  }
}

module attributes {stable_mosaic.version = 14 : i64} {
  func.func @_b2_body(%arg0: memref<512x1xi32, #tpu.memory_space<vmem>>, %arg1: memref<1x512xi32, #tpu.memory_space<vmem>>, %arg2: memref<512x1xi32, #tpu.memory_space<vmem>>, %arg3: memref<1x512xi32, #tpu.memory_space<vmem>>, %arg4: memref<8x512xf32, #tpu.memory_space<vmem>>, %arg5: memref<1x512xf32, #tpu.memory_space<vmem>>) attributes {dimension_semantics = [], scalar_prefetch = 0 : i64, scratch_operands = 0 : i64, tpu.core_type = #tpu.core_type<tc>} {
    %get3A = arith.constant 0 : index
    %get3A_0 = arith.constant 0 : index
    %get3A_1 = vector.load %arg0[%get3A, %get3A_0] : memref<512x1xi32, #tpu.memory_space<vmem>>, vector<512x1xi32>
    %get3A_2 = arith.constant 0 : index
    %get3A_3 = arith.constant 0 : index
    %get3A_4 = vector.load %arg1[%get3A_2, %get3A_3] : memref<1x512xi32, #tpu.memory_space<vmem>>, vector<1x512xi32>
    %get3A_5 = arith.constant 0 : index
    %get3A_6 = arith.constant 0 : index
    %get3A_7 = vector.load %arg2[%get3A_5, %get3A_6] : memref<512x1xi32, #tpu.memory_space<vmem>>, vector<512x1xi32>
    %get3A_8 = arith.constant 0 : index
    %get3A_9 = arith.constant 0 : index
    %get3A_10 = vector.load %arg3[%get3A_8, %get3A_9] : memref<1x512xi32, #tpu.memory_space<vmem>>, vector<1x512xi32>
    %get3A_11 = arith.constant 0 : index
    %get3A_12 = arith.constant 0 : index
    %get3A_13 = vector.load %arg4[%get3A_11, %get3A_12] : memref<8x512xf32, #tpu.memory_space<vmem>>, vector<8x512xf32>
    %gt3A = vector.broadcast %get3A_1 : vector<512x1xi32> to vector<512x512xi32>
    %gt3A_14 = vector.broadcast %get3A_4 : vector<1x512xi32> to vector<512x512xi32>
    %gt3A_15 = arith.cmpi ugt, %gt3A, %gt3A_14 : vector<512x512xi32>
    %eq3A = vector.broadcast %get3A_1 : vector<512x1xi32> to vector<512x512xi32>
    %eq3A_16 = vector.broadcast %get3A_4 : vector<1x512xi32> to vector<512x512xi32>
    %eq3A_17 = arith.cmpi eq, %eq3A, %eq3A_16 : vector<512x512xi32>
    %lt3A = vector.broadcast %get3A_7 : vector<512x1xi32> to vector<512x512xi32>
    %lt3A_18 = vector.broadcast %get3A_10 : vector<1x512xi32> to vector<512x512xi32>
    %lt3A_19 = arith.cmpi slt, %lt3A, %lt3A_18 : vector<512x512xi32>
    %and3A = arith.andi %eq3A_17, %lt3A_19 : vector<512x512xi1>
    %or3A = arith.ori %gt3A_15, %and3A : vector<512x512xi1>
    %convert_element_type3A = arith.extui %or3A : vector<512x512xi1> to vector<512x512xi32>
    %reduce_sum3A = arith.constant dense<0> : vector<512xi32>
    %reduce_sum3A_20 = vector.multi_reduction <add>, %convert_element_type3A, %reduce_sum3A [0] : vector<512x512xi32> to vector<512xi32>
    %broadcast_in_dim3A = vector.shape_cast %reduce_sum3A_20 : vector<512xi32> to vector<1x512xi32>
    %slice3A = vector.extract_strided_slice %get3A_13 {offsets = [0, 0], sizes = [1, 512], strides = [1, 1]} : vector<8x512xf32> to vector<1x512xf32>
    %slice3A_21 = vector.extract_strided_slice %get3A_13 {offsets = [2, 0], sizes = [1, 512], strides = [1, 1]} : vector<8x512xf32> to vector<1x512xf32>
    %mul3A = arith.constant 5.000000e-01 : f32
    %mul3A_22 = vector.broadcast %mul3A : f32 to vector<1x512xf32>
    %mul3A_23 = arith.mulf %mul3A_22, %slice3A_21 : vector<1x512xf32>
    %sub3A = arith.subf %slice3A, %mul3A_23 : vector<1x512xf32>
    %slice3A_24 = vector.extract_strided_slice %get3A_13 {offsets = [0, 0], sizes = [1, 512], strides = [1, 1]} : vector<8x512xf32> to vector<1x512xf32>
    %slice3A_25 = vector.extract_strided_slice %get3A_13 {offsets = [2, 0], sizes = [1, 512], strides = [1, 1]} : vector<8x512xf32> to vector<1x512xf32>
    %mul3A_26 = arith.constant 5.000000e-01 : f32
    %mul3A_27 = vector.broadcast %mul3A_26 : f32 to vector<1x512xf32>
    %mul3A_28 = arith.mulf %mul3A_27, %slice3A_25 : vector<1x512xf32>
    %add3A = arith.addf %slice3A_24, %mul3A_28 : vector<1x512xf32>
    %slice3A_29 = vector.extract_strided_slice %get3A_13 {offsets = [1, 0], sizes = [1, 512], strides = [1, 1]} : vector<8x512xf32> to vector<1x512xf32>
    %slice3A_30 = vector.extract_strided_slice %get3A_13 {offsets = [3, 0], sizes = [1, 512], strides = [1, 1]} : vector<8x512xf32> to vector<1x512xf32>
    %mul3A_31 = arith.constant 5.000000e-01 : f32
    %mul3A_32 = vector.broadcast %mul3A_31 : f32 to vector<1x512xf32>
    %mul3A_33 = arith.mulf %mul3A_32, %slice3A_30 : vector<1x512xf32>
    %sub3A_34 = arith.subf %slice3A_29, %mul3A_33 : vector<1x512xf32>
    %slice3A_35 = vector.extract_strided_slice %get3A_13 {offsets = [1, 0], sizes = [1, 512], strides = [1, 1]} : vector<8x512xf32> to vector<1x512xf32>
    %slice3A_36 = vector.extract_strided_slice %get3A_13 {offsets = [3, 0], sizes = [1, 512], strides = [1, 1]} : vector<8x512xf32> to vector<1x512xf32>
    %mul3A_37 = arith.constant 5.000000e-01 : f32
    %mul3A_38 = vector.broadcast %mul3A_37 : f32 to vector<1x512xf32>
    %mul3A_39 = arith.mulf %mul3A_38, %slice3A_36 : vector<1x512xf32>
    %add3A_40 = arith.addf %slice3A_35, %mul3A_39 : vector<1x512xf32>
    %slice3A_41 = vector.extract_strided_slice %get3A_13 {offsets = [2, 0], sizes = [1, 512], strides = [1, 1]} : vector<8x512xf32> to vector<1x512xf32>
    %slice3A_42 = vector.extract_strided_slice %get3A_13 {offsets = [3, 0], sizes = [1, 512], strides = [1, 1]} : vector<8x512xf32> to vector<1x512xf32>
    %mul3A_43 = arith.mulf %slice3A_41, %slice3A_42 : vector<1x512xf32>
    %slice3A_44 = vector.extract_strided_slice %get3A_13 {offsets = [4, 0], sizes = [1, 512], strides = [1, 1]} : vector<8x512xf32> to vector<1x512xf32>
    %gt3A_45 = arith.constant 0.000000e+00 : f32
    %gt3A_46 = vector.broadcast %gt3A_45 : f32 to vector<1x512xf32>
    %gt3A_47 = arith.cmpf ogt, %slice3A_44, %gt3A_46 : vector<1x512xf32>
    %convert_element_type3A_48 = arith.extui %gt3A_47 : vector<1x512xi1> to vector<1x512xi32>
    %convert_element_type3A_49 = arith.sitofp %convert_element_type3A_48 : vector<1x512xi32> to vector<1x512xf32>
    %scan3A = arith.constant 0 : i32
    %scan3A_50 = arith.constant 392 : i32
    %scan3A_51 = arith.addi %scan3A, %scan3A_50 : i32
    %scan3A_52 = arith.constant 1 : i32
    %scan3A_53 = scf.for %scan3A_57 = %scan3A to %scan3A_51 step %scan3A_52 iter_args(%scan3A_58 = %convert_element_type3A_49) -> (vector<1x512xf32>)  : i32 {
      %eq3A_59 = vector.broadcast %scan3A_57 : i32 to vector<1x512xi32>
      %eq3A_60 = arith.cmpi eq, %broadcast_in_dim3A, %eq3A_59 : vector<1x512xi32>
      %convert_element_type3A_61 = arith.extui %eq3A_60 : vector<1x512xi1> to vector<1x512xi32>
      %convert_element_type3A_62 = arith.sitofp %convert_element_type3A_61 : vector<1x512xi32> to vector<1x512xf32>
      %mul3A_63 = arith.mulf %sub3A, %convert_element_type3A_62 : vector<1x512xf32>
      %reduce_sum3A_64 = arith.constant dense<0.000000e+00> : vector<1xf32>
      %reduce_sum3A_65 = vector.multi_reduction <add>, %mul3A_63, %reduce_sum3A_64 [1] : vector<1x512xf32> to vector<1xf32>
      %broadcast_in_dim3A_66 = vector.shape_cast %reduce_sum3A_65 : vector<1xf32> to vector<1x1xf32>
      %mul3A_67 = arith.mulf %add3A, %convert_element_type3A_62 : vector<1x512xf32>
      %reduce_sum3A_68 = arith.constant dense<0.000000e+00> : vector<1xf32>
      %reduce_sum3A_69 = vector.multi_reduction <add>, %mul3A_67, %reduce_sum3A_68 [1] : vector<1x512xf32> to vector<1xf32>
      %broadcast_in_dim3A_70 = vector.shape_cast %reduce_sum3A_69 : vector<1xf32> to vector<1x1xf32>
      %mul3A_71 = arith.mulf %sub3A_34, %convert_element_type3A_62 : vector<1x512xf32>
      %reduce_sum3A_72 = arith.constant dense<0.000000e+00> : vector<1xf32>
      %reduce_sum3A_73 = vector.multi_reduction <add>, %mul3A_71, %reduce_sum3A_72 [1] : vector<1x512xf32> to vector<1xf32>
      %broadcast_in_dim3A_74 = vector.shape_cast %reduce_sum3A_73 : vector<1xf32> to vector<1x1xf32>
      %mul3A_75 = arith.mulf %add3A_40, %convert_element_type3A_62 : vector<1x512xf32>
      %reduce_sum3A_76 = arith.constant dense<0.000000e+00> : vector<1xf32>
      %reduce_sum3A_77 = vector.multi_reduction <add>, %mul3A_75, %reduce_sum3A_76 [1] : vector<1x512xf32> to vector<1xf32>
      %broadcast_in_dim3A_78 = vector.shape_cast %reduce_sum3A_77 : vector<1xf32> to vector<1x1xf32>
      %mul3A_79 = arith.mulf %mul3A_43, %convert_element_type3A_62 : vector<1x512xf32>
      %reduce_sum3A_80 = arith.constant dense<0.000000e+00> : vector<1xf32>
      %reduce_sum3A_81 = vector.multi_reduction <add>, %mul3A_79, %reduce_sum3A_80 [1] : vector<1x512xf32> to vector<1xf32>
      %broadcast_in_dim3A_82 = vector.shape_cast %reduce_sum3A_81 : vector<1xf32> to vector<1x1xf32>
      %mul3A_83 = arith.mulf %scan3A_58, %convert_element_type3A_62 : vector<1x512xf32>
      %reduce_sum3A_84 = arith.constant dense<0.000000e+00> : vector<1xf32>
      %reduce_sum3A_85 = vector.multi_reduction <add>, %mul3A_83, %reduce_sum3A_84 [1] : vector<1x512xf32> to vector<1xf32>
      %broadcast_in_dim3A_86 = vector.shape_cast %reduce_sum3A_85 : vector<1xf32> to vector<1x1xf32>
      %min3A = vector.broadcast %broadcast_in_dim3A_70 : vector<1x1xf32> to vector<1x512xf32>
      %min3A_87 = arith.minimumf %min3A, %add3A : vector<1x512xf32>
      %max3A = vector.broadcast %broadcast_in_dim3A_66 : vector<1x1xf32> to vector<1x512xf32>
      %max3A_88 = arith.maximumf %max3A, %sub3A : vector<1x512xf32>
      %sub3A_89 = arith.subf %min3A_87, %max3A_88 : vector<1x512xf32>
      %min3A_90 = vector.broadcast %broadcast_in_dim3A_78 : vector<1x1xf32> to vector<1x512xf32>
      %min3A_91 = arith.minimumf %min3A_90, %add3A_40 : vector<1x512xf32>
      %max3A_92 = vector.broadcast %broadcast_in_dim3A_74 : vector<1x1xf32> to vector<1x512xf32>
      %max3A_93 = arith.maximumf %max3A_92, %sub3A_34 : vector<1x512xf32>
      %sub3A_94 = arith.subf %min3A_91, %max3A_93 : vector<1x512xf32>
      %lt3A_95 = arith.constant 0.000000e+00 : f32
      %lt3A_96 = vector.broadcast %lt3A_95 : f32 to vector<1x512xf32>
      %lt3A_97 = arith.cmpf olt, %sub3A_89, %lt3A_96 : vector<1x512xf32>
      %lt3A_98 = arith.constant 0.000000e+00 : f32
      %lt3A_99 = vector.broadcast %lt3A_98 : f32 to vector<1x512xf32>
      %lt3A_100 = arith.cmpf olt, %sub3A_94, %lt3A_99 : vector<1x512xf32>
      %or3A_101 = arith.ori %lt3A_97, %lt3A_100 : vector<1x512xi1>
      %mul3A_102 = arith.mulf %sub3A_89, %sub3A_94 : vector<1x512xf32>
      %jit3A = arith.constant 0.000000e+00 : f32
      %broadcast_in_dim3A_103 = vector.broadcast %jit3A : f32 to vector<1x512xf32>
      %select_n3A = arith.select %or3A_101, %broadcast_in_dim3A_103, %mul3A_102 : vector<1x512xi1>, vector<1x512xf32>
      %add3A_104 = vector.broadcast %broadcast_in_dim3A_82 : vector<1x1xf32> to vector<1x512xf32>
      %add3A_105 = arith.addf %add3A_104, %mul3A_43 : vector<1x512xf32>
      %sub3A_106 = arith.subf %add3A_105, %select_n3A : vector<1x512xf32>
      %max3A_107 = arith.constant 9.99999996E-13 : f32
      %max3A_108 = vector.broadcast %max3A_107 : f32 to vector<1x512xf32>
      %max3A_109 = arith.maximumf %sub3A_106, %max3A_108 : vector<1x512xf32>
      %div3A = arith.divf %select_n3A, %max3A_109 : vector<1x512xf32>
      %gt3A_110 = arith.constant 1.000000e-01 : f32
      %gt3A_111 = vector.broadcast %gt3A_110 : f32 to vector<1x512xf32>
      %gt3A_112 = arith.cmpf ogt, %div3A, %gt3A_111 : vector<1x512xf32>
      %gt3A_113 = vector.broadcast %scan3A_57 : i32 to vector<1x512xi32>
      %gt3A_114 = arith.cmpi sgt, %broadcast_in_dim3A, %gt3A_113 : vector<1x512xi32>
      %and3A_115 = arith.andi %gt3A_112, %gt3A_114 : vector<1x512xi1>
      %gt3A_116 = arith.constant 0.000000e+00 : f32
      %gt3A_117 = vector.broadcast %gt3A_116 : f32 to vector<1x1xf32>
      %gt3A_118 = arith.cmpf ogt, %broadcast_in_dim3A_86, %gt3A_117 : vector<1x1xf32>
      %and3A_119 = vector.broadcast %gt3A_118 : vector<1x1xi1> to vector<1x512xi1>
      %and3A_120 = arith.andi %and3A_115, %and3A_119 : vector<1x512xi1>
      %jit3A_121 = arith.constant 0.000000e+00 : f32
      %broadcast_in_dim3A_122 = vector.broadcast %jit3A_121 : f32 to vector<1x512xf32>
      %select_n3A_123 = arith.select %and3A_120, %broadcast_in_dim3A_122, %scan3A_58 : vector<1x512xi1>, vector<1x512xf32>
      scf.yield %select_n3A_123 : vector<1x512xf32>
    }
    %scan3A_54 = arith.constant 392 : i32
    %swap3A = arith.constant 0 : index
    %swap3A_55 = arith.constant 0 : index
    %swap3A_56 = vector.load %arg5[%swap3A, %swap3A_55] : memref<1x512xf32, #tpu.memory_space<vmem>>, vector<1x512xf32>
    tpu.vector_store %arg5[%swap3A, %swap3A_55], %scan3A_53 {strides = array<i32>} : memref<1x512xf32, #tpu.memory_space<vmem>>, vector<1x512xf32>,
    return
  }
}

module attributes {stable_mosaic.version = 14 : i64} {
  func.func @_rank_body(%arg0: i32, %arg1: memref<64x128xi32, #tpu.memory_space<vmem>>, %arg2: memref<64x128x1xi32, #tpu.memory_space<vmem>>, %arg3: memref<64x128x1xi32, #tpu.memory_space<vmem>>) attributes {dimension_semantics = [#tpu.dimension_semantics<arbitrary>], iteration_bounds = array<i64: 64>, scalar_prefetch = 0 : i64, scratch_operands = 0 : i64, tpu.core_type = #tpu.core_type<tc>, window_params = [{pipeline_mode = #tpu.pipeline_mode<synchronous>, transform_indices = @transform_0, window_bounds = array<i64: 64, 128>}, {pipeline_mode = #tpu.pipeline_mode<synchronous>, transform_indices = @transform_1, window_bounds = array<i64: 64, 128, 1>}, {pipeline_mode = #tpu.pipeline_mode<synchronous>, transform_indices = @transform_2, window_bounds = array<i64: 64, 128, 1>}]} {
    %get3A = arith.index_cast %arg0 : i32 to index
    %get3A_0 = arith.constant 0 : index
    %get3A_1 = arith.constant 0 : index
    %get3A_2 = vector.load %arg2[%get3A, %get3A_0, %get3A_1] : memref<64x128x1xi32, #tpu.memory_space<vmem>>, vector<1x128x1xi32>
    %get3A_3 = vector.shape_cast %get3A_2 : vector<1x128x1xi32> to vector<128x1xi32>
    %broadcast_in_dim3A = arith.constant 1 : i32
    %broadcast_in_dim3A_4 = vector.broadcast %broadcast_in_dim3A : i32 to vector<128x128xi32>
    %broadcast_in_dim3A_5 = arith.constant 0 : i32
    %broadcast_in_dim3A_6 = vector.broadcast %broadcast_in_dim3A_5 : i32 to vector<128x128xi32>
    %while3A = arith.constant 0 : i32
    %while3A_7 = arith.subi %arg0, %while3A : i32
    %while3A_8 = arith.addi %while3A, %while3A_7 : i32
    %while3A_9 = arith.constant 1 : i32
    %while3A_10 = arith.divsi %while3A_7, %while3A_9 : i32
    %while3A_11 = arith.muli %while3A_10, %while3A_9 : i32
    %while3A_12 = arith.addi %while3A, %while3A_11 : i32
    %while3A_13 = arith.constant 1 : i32
    %while3A_14 = scf.for %while3A_46 = %while3A to %while3A_12 step %while3A_13 iter_args(%while3A_47 = %broadcast_in_dim3A_6) -> (vector<128x128xi32>)  : i32 {
      %get3A_48 = arith.index_cast %while3A_46 : i32 to index
      %get3A_49 = arith.constant 0 : index
      %get3A_50 = vector.load %arg1[%get3A_48, %get3A_49] : memref<64x128xi32, #tpu.memory_space<vmem>>, vector<1x128xi32>
      %ge3A = vector.broadcast %get3A_50 : vector<1x128xi32> to vector<128x128xi32>
      %ge3A_51 = vector.broadcast %get3A_3 : vector<128x1xi32> to vector<128x128xi32>
      %ge3A_52 = arith.cmpi uge, %ge3A, %ge3A_51 : vector<128x128xi32>
      %jit3A_53 = arith.constant 0 : i32
      %broadcast_in_dim3A_54 = vector.broadcast %jit3A_53 : i32 to vector<128x128xi32>
      %select_n3A_55 = arith.select %ge3A_52, %broadcast_in_dim3A_4, %broadcast_in_dim3A_54 : vector<128x128xi1>, vector<128x128xi32>
      %add3A_56 = arith.addi %while3A_47, %select_n3A_55 : vector<128x128xi32>
      scf.yield %add3A_56 : vector<128x128xi32>
    }
    %while3A_15 = arith.constant 1 : i32
    %while3A_16 = scf.for %while3A_46 = %while3A_12 to %while3A_8 step %while3A_15 iter_args(%while3A_47 = %while3A_14) -> (vector<128x128xi32>)  : i32 {
      %get3A_48 = arith.index_cast %while3A_46 : i32 to index
      %get3A_49 = arith.constant 0 : index
      %get3A_50 = vector.load %arg1[%get3A_48, %get3A_49] : memref<64x128xi32, #tpu.memory_space<vmem>>, vector<1x128xi32>
      %ge3A = vector.broadcast %get3A_50 : vector<1x128xi32> to vector<128x128xi32>
      %ge3A_51 = vector.broadcast %get3A_3 : vector<128x1xi32> to vector<128x128xi32>
      %ge3A_52 = arith.cmpi uge, %ge3A, %ge3A_51 : vector<128x128xi32>
      %jit3A_53 = arith.constant 0 : i32
      %broadcast_in_dim3A_54 = vector.broadcast %jit3A_53 : i32 to vector<128x128xi32>
      %select_n3A_55 = arith.select %ge3A_52, %broadcast_in_dim3A_4, %broadcast_in_dim3A_54 : vector<128x128xi1>, vector<128x128xi32>
      %add3A_56 = arith.addi %while3A_47, %select_n3A_55 : vector<128x128xi32>
      scf.yield %add3A_56 : vector<128x128xi32>
    }
    %add3A = arith.constant 1 : i32
    %add3A_17 = arith.addi %arg0, %add3A : i32
    %while3A_18 = arith.constant 64 : i32
    %while3A_19 = arith.subi %while3A_18, %add3A_17 : i32
    %while3A_20 = arith.addi %add3A_17, %while3A_19 : i32
    %while3A_21 = arith.constant 1 : i32
    %while3A_22 = arith.divsi %while3A_19, %while3A_21 : i32
    %while3A_23 = arith.muli %while3A_22, %while3A_21 : i32
    %while3A_24 = arith.addi %add3A_17, %while3A_23 : i32
    %while3A_25 = arith.constant 1 : i32
    %while3A_26 = scf.for %while3A_46 = %add3A_17 to %while3A_24 step %while3A_25 iter_args(%while3A_47 = %while3A_16) -> (vector<128x128xi32>)  : i32 {
      %get3A_48 = arith.index_cast %while3A_46 : i32 to index
      %get3A_49 = arith.constant 0 : index
      %get3A_50 = vector.load %arg1[%get3A_48, %get3A_49] : memref<64x128xi32, #tpu.memory_space<vmem>>, vector<1x128xi32>
      %gt3A_51 = vector.broadcast %get3A_50 : vector<1x128xi32> to vector<128x128xi32>
      %gt3A_52 = vector.broadcast %get3A_3 : vector<128x1xi32> to vector<128x128xi32>
      %gt3A_53 = arith.cmpi ugt, %gt3A_51, %gt3A_52 : vector<128x128xi32>
      %jit3A_54 = arith.constant 0 : i32
      %broadcast_in_dim3A_55 = vector.broadcast %jit3A_54 : i32 to vector<128x128xi32>
      %select_n3A_56 = arith.select %gt3A_53, %broadcast_in_dim3A_4, %broadcast_in_dim3A_55 : vector<128x128xi1>, vector<128x128xi32>
      %add3A_57 = arith.addi %while3A_47, %select_n3A_56 : vector<128x128xi32>
      scf.yield %add3A_57 : vector<128x128xi32>
    }
    %while3A_27 = arith.constant 1 : i32
    %while3A_28 = scf.for %while3A_46 = %while3A_24 to %while3A_20 step %while3A_27 iter_args(%while3A_47 = %while3A_26) -> (vector<128x128xi32>)  : i32 {
      %get3A_48 = arith.index_cast %while3A_46 : i32 to index
      %get3A_49 = arith.constant 0 : index
      %get3A_50 = vector.load %arg1[%get3A_48, %get3A_49] : memref<64x128xi32, #tpu.memory_space<vmem>>, vector<1x128xi32>
      %gt3A_51 = vector.broadcast %get3A_50 : vector<1x128xi32> to vector<128x128xi32>
      %gt3A_52 = vector.broadcast %get3A_3 : vector<128x1xi32> to vector<128x128xi32>
      %gt3A_53 = arith.cmpi ugt, %gt3A_51, %gt3A_52 : vector<128x128xi32>
      %jit3A_54 = arith.constant 0 : i32
      %broadcast_in_dim3A_55 = vector.broadcast %jit3A_54 : i32 to vector<128x128xi32>
      %select_n3A_56 = arith.select %gt3A_53, %broadcast_in_dim3A_4, %broadcast_in_dim3A_55 : vector<128x128xi1>, vector<128x128xi32>
      %add3A_57 = arith.addi %while3A_47, %select_n3A_56 : vector<128x128xi32>
      scf.yield %add3A_57 : vector<128x128xi32>
    }
    %get3A_29 = arith.index_cast %arg0 : i32 to index
    %get3A_30 = arith.constant 0 : index
    %get3A_31 = vector.load %arg1[%get3A_29, %get3A_30] : memref<64x128xi32, #tpu.memory_space<vmem>>, vector<1x128xi32>
    %iota3A = tpu.iota {dimensions = array<i32: 1>} : vector<128x128xi32>
    %iota3A_32 = tpu.iota {dimensions = array<i32: 0>} : vector<128x128xi32>
    %gt3A = vector.broadcast %get3A_31 : vector<1x128xi32> to vector<128x128xi32>
    %gt3A_33 = vector.broadcast %get3A_3 : vector<128x1xi32> to vector<128x128xi32>
    %gt3A_34 = arith.cmpi ugt, %gt3A, %gt3A_33 : vector<128x128xi32>
    %eq3A = vector.broadcast %get3A_31 : vector<1x128xi32> to vector<128x128xi32>
    %eq3A_35 = vector.broadcast %get3A_3 : vector<128x1xi32> to vector<128x128xi32>
    %eq3A_36 = arith.cmpi eq, %eq3A, %eq3A_35 : vector<128x128xi32>
    %lt3A = arith.cmpi slt, %iota3A, %iota3A_32 : vector<128x128xi32>
    %and3A = arith.andi %eq3A_36, %lt3A : vector<128x128xi1>
    %or3A = arith.ori %gt3A_34, %and3A : vector<128x128xi1>
    %jit3A = arith.constant 0 : i32
    %broadcast_in_dim3A_37 = vector.broadcast %jit3A : i32 to vector<128x128xi32>
    %select_n3A = arith.select %or3A, %broadcast_in_dim3A_4, %broadcast_in_dim3A_37 : vector<128x128xi1>, vector<128x128xi32>
    %add3A_38 = arith.addi %while3A_28, %select_n3A : vector<128x128xi32>
    %reduce_sum3A = arith.constant dense<0> : vector<128xi32>
    %reduce_sum3A_39 = vector.multi_reduction <add>, %add3A_38, %reduce_sum3A [1] : vector<128x128xi32> to vector<128xi32>
    %broadcast_in_dim3A_40 = vector.shape_cast %reduce_sum3A_39 : vector<128xi32> to vector<128x1xi32>
    %swap3A = arith.index_cast %arg0 : i32 to index
    %swap3A_41 = arith.constant 0 : index
    %swap3A_42 = arith.constant 0 : index
    %swap3A_43 = vector.load %arg3[%swap3A, %swap3A_41, %swap3A_42] : memref<64x128x1xi32, #tpu.memory_space<vmem>>, vector<1x128x1xi32>
    %swap3A_44 = vector.shape_cast %swap3A_43 : vector<1x128x1xi32> to vector<128x1xi32>
    %swap3A_45 = vector.shape_cast %broadcast_in_dim3A_40 : vector<128x1xi32> to vector<1x128x1xi32>
    tpu.vector_store %arg3[%swap3A, %swap3A_41, %swap3A_42], %swap3A_45 {strides = array<i32>} : memref<64x128x1xi32, #tpu.memory_space<vmem>>, vector<1x128x1xi32>,
    return
  }
  func.func @transform_0(%arg0: i32) -> (i32, i32) {
    %c0_i32 = arith.constant 0 : i32
    %c0_i32_0 = arith.constant 0 : i32
    %c0_i32_1 = arith.constant 0 : i32
    return %c0_i32, %c0_i32_0 : i32, i32
  }
  func.func @transform_1(%arg0: i32) -> (i32, i32, i32) {
    %c0_i32 = arith.constant 0 : i32
    %c0_i32_0 = arith.constant 0 : i32
    %c0_i32_1 = arith.constant 0 : i32
    %c0_i32_2 = arith.constant 0 : i32
    return %c0_i32, %c0_i32_0, %c0_i32_1 : i32, i32, i32
  }
  func.func @transform_2(%arg0: i32) -> (i32, i32, i32) {
    %c0_i32 = arith.constant 0 : i32
    %c0_i32_0 = arith.constant 0 : i32
    %c0_i32_1 = arith.constant 0 : i32
    %c0_i32_2 = arith.constant 0 : i32
    return %c0_i32, %c0_i32_0, %c0_i32_1 : i32, i32, i32
  }
}

</mosaic_0001>

<sc_bundles>
// kernel: kernel.6.cloned.1.call-start
scs
__scs_entry_jumppad:
0x0: {  	(pc) =	sbr.rel $0x88, $3  }
0x1: {  	(tag) =	ssettag $0x0;
	lr =	simm.s32 $0x1  }
0x2: {  	[smem:$0x3FA0] =	sst lr;
	_ =	strace $0xD0000000  }
0x3: {  	_ = 	snop  }
0x4: {  	_ = 	snop  }
0x5: {  	_ = 	snop  }
0x6: {  	_ = 	snop  }
0x7: {  	_ = 	snop  }
__scs_overlays_trampoline_lowered:
0x8: {  	[smem:$0x3FAF] =	sst s0  }
0x9: {  	[smem:$0x3FB0] =	sst s1  }
0xa: {  	[smem:$0x3FB1] =	sst s2  }
0xb: {  	[smem:$0x3FB2] =	sst s3  }
0xc: {  	[smem:$0x3FB3] =	sst s4  }
0xd: {  	[smem:$0x3FB4] =	sst s5  }
0xe: {  	[smem:$0x3FB5] =	sst s6  }
0xf: {  	[smem:$0x3FB6] =	sst s7  }
0x10: {  	[smem:$0x3FB7] =	sst s8  }
0x11: {  	[smem:$0x3FB8] =	sst s9;
	s0 =	simm.s32 @!p0 $0x0  }
0x12: {  	s1 =	sld [smem:$0x3F9E];
	s0 =	simm.s32 @p0 $0x1  }
0x13: {  	[smem:$0x3FB9] =	sst s0;
	s0 =	simm.s32 @!p1 $0x0  }
0x14: {  	s2 =	sld [smem:$0x3F9D];
	s0 =	simm.s32 @p1 $0x1  }
0x15: {  	[smem:$0x3FBA] =	sst s0;
	s0 =	simm.s32 @!p2 $0x0  }
0x16: {  	s3 =	sld [smem:$0x3FDB];
	s0 =	simm.s32 @p2 $0x1  }
0x17: {  	s4 =	simm.s32 $0x1BF5;
	[smem:$0x3FBC] =	sst s0  }
0x18: {  	s0 =	sld [smem:$0x3F9F];
	_ =	swait.ge [sflag:s4], $0x0  }
0x19: {  	s7 =	sld [smem:$0x3FA0]  }
0x1a: {  	s8 =	sadd.s32 $0xFFFFE003, lr  }
0x1b: {  	s9 =	sadd.s32 $0xFFFFFEF7, lr;
	s5 =	simm.s32 $0xFFFFFFFF;
	p2 =	slt.u32 s8, $0xFFFFF086  }
0x1c: {  	p1 =	slt.u32 s9, $0xF7A;
	s5 =	simm.s32 @!p2 $0x0  }
0x1d: {  	s5 =	simm.s32 @p1 $0x1;
	p0 =	seq.s32 s7, s2  }
0x1e: {  	s7 =	smul.u32 @!p0 $0xF7A, s2;
	p2 =	seq.s32 @!p0 s5, $0x0  }
0x1f: {  	s9 =	smul.u32 $0xF7A, s1;
	s8 =	simm.s32 @!p0 $0x1BF5;
	p2 =	por !p2, p0  }
0x20: {  	[sflag:s8] =	ssyncset.s32 @!p0 $0xFFFFF086;
	s6 =	sadd.s32 @!p0 s3, s7;
	s7 =	simm.s32 @!p0 $0x108  }
0x21: {  	s3 =	sadd.s32 s3, s9;
	s6 =	sadd.s32 @!p0 $0x88, s6;
	s7 =	simm.s32 @p2 $0x1082  }
0x22: {  	[simem:s7], [sflag:s8] =	dma.local @!p0 [hbm:s6], $0xF7A  }
0x23: {  	s9 =	sor.u32 $0xD0000000, s2;
	s6 =	simm.s32 $0x108;
	_ =	swait.ge @!p0 [sflag:s8], $0x0  }
0x24: {  	s3 =	sadd.s32 $0x88, s3;
	s6 =	simm.s32 @!p1 $0x1082;
	[sflag:s4] =	ssyncset.s32 $0xFFFFF086  }
0x25: {  	[simem:s6], [sflag:s4] =	dma.local [hbm:s3], $0xF7A  }
0x26: {  	[smem:$0x3FA0] =	sst s1;
	(tag) =	ssettag s2;
	_ =	strace s9  }
0x27: {  	s1 =	sld [smem:$0x3FB0]  }
0x28: {  	s2 =	sld [smem:$0x3FB1]  }
0x29: {  	s4 =	sld [smem:$0x3FB3]  }
0x2a: {  	p0 =	seq.s32 s5, $0x0;
	s5 =	sld [smem:$0x3FB4]  }
0x2b: {  	s6 =	sld [smem:$0x3FB5]  }
0x2c: {  	s7 =	sld [smem:$0x3FB6]  }
0x2d: {  	s3 =	simm.s32 $0x108;
	s8 =	sld [smem:$0x3FB7]  }
0x2e: {  	s3 =	simm.s32 @!p0 $0x1082;
	s9 =	sld [smem:$0x3FB8]  }
0x2f: {  	lr =	sadd.s32 s0, s3;
	s0 =	sld [smem:$0x3FAF]  }
0x30: {  	s3 =	sld [smem:$0x3FB2]  }
0x31: {  	[smem:$0x3FBB] =	sst s10  }
0x32: {  	s10 =	sld [smem:$0x3FB9];
	_ =	sdelay $0x3  }
0x33: {  	p0 =	seq.s32 s10, $0x1;
	s10 =	sld [smem:$0x3FBB];
	_ =	sdelay $0x3  }
0x34: {  	[smem:$0x3FBB] =	sst s10  }
0x35: {  	s10 =	sld [smem:$0x3FBA];
	_ =	sdelay $0x3  }
0x36: {  	p1 =	seq.s32 s10, $0x1;
	s10 =	sld [smem:$0x3FBB];
	_ =	sdelay $0x3  }
0x37: {  	[smem:$0x3FBB] =	sst s10  }
0x38: {  	s10 =	sld [smem:$0x3FBC]  }
0x39: {  	_ = 	snop;
	(pc) =	sbr.ind lr, $3  }
0x3a: {  	_ = 	snop  }
0x3b: {  	_ = 	snop  }
0x3c: {  	p2 =	seq.s32 s10, $0x1;
	s10 =	sld [smem:$0x3FBB]  }
0x3d: {  	_ =	shalt  }
0x3e: {  	_ =	shalt  }
0x3f: {  	_ =	shalt  }
0x40: {  	_ =	shalt  }
0x41: {  	_ =	shalt  }
0x42: {  	_ =	shalt  }
0x43: {  	_ =	shalt  }
0x44: {  	_ =	shalt  }
0x45: {  	_ =	shalt  }
0x46: {  	_ =	shalt  }
0x47: {  	_ =	shalt  }
0x48: {  	_ =	shalt  }
0x49: {  	_ =	shalt  }
0x4a: {  	_ =	shalt  }
0x4b: {  	_ =	shalt  }
0x4c: {  	_ =	shalt  }
0x4d: {  	_ =	shalt  }
0x4e: {  	_ =	shalt  }
0x4f: {  	_ =	shalt  }
0x50: {  	_ =	shalt  }
0x51: {  	_ =	shalt  }
0x52: {  	_ =	shalt  }
0x53: {  	_ =	shalt  }
0x54: {  	_ =	shalt  }
0x55: {  	_ =	shalt  }
0x56: {  	_ =	shalt  }
0x57: {  	_ =	shalt  }
0x58: {  	_ =	shalt  }
0x59: {  	_ =	shalt  }
0x5a: {  	_ =	shalt  }
0x5b: {  	_ =	shalt  }
0x5c: {  	_ =	shalt  }
0x5d: {  	_ =	shalt  }
0x5e: {  	_ =	shalt  }
0x5f: {  	_ =	shalt  }
0x60: {  	_ =	shalt  }
0x61: {  	_ =	shalt  }
0x62: {  	_ =	shalt  }
0x63: {  	_ =	shalt  }
0x64: {  	_ =	shalt  }
0x65: {  	_ =	shalt  }
0x66: {  	_ =	shalt  }
0x67: {  	_ =	shalt  }
0x68: {  	_ =	shalt  }
0x69: {  	_ =	shalt  }
0x6a: {  	_ =	shalt  }
0x6b: {  	_ =	shalt  }
0x6c: {  	_ =	shalt  }
0x6d: {  	_ =	shalt  }
0x6e: {  	_ =	shalt  }
0x6f: {  	_ =	shalt  }
0x70: {  	_ =	shalt  }
0x71: {  	_ =	shalt  }
0x72: {  	_ =	shalt  }
0x73: {  	_ =	shalt  }
0x74: {  	_ =	shalt  }
0x75: {  	_ =	shalt  }
0x76: {  	_ =	shalt  }
0x77: {  	_ =	shalt  }
0x78: {  	_ =	shalt  }
0x79: {  	_ =	shalt  }
0x7a: {  	_ =	shalt  }
0x7b: {  	_ =	shalt  }
0x7c: {  	_ =	shalt  }
0x7d: {  	_ =	shalt  }
0x7e: {  	_ =	shalt  }
0x7f: {  	_ =	shalt  }
0x80: {  	_ =	shalt  }
0x81: {  	_ =	shalt  }
0x82: {  	_ =	shalt  }
0x83: {  	_ =	shalt  }
0x84: {  	_ =	shalt  }
0x85: {  	_ =	shalt  }
0x86: {  	_ =	shalt  }
0x87: {  	_ =	shalt  }
.Lfunc_end0:
.L_simem_size_0:
called_computation_lowered:
.L_overlay_start_0:
0x88: {  	s2 =	sld [smem:$0x3FD9]  }
0x89: {  	s3 =	sld [smem:$0x3FFE];
	_ =	sdelay $0x1  }
0x8a: {  	s1 =	srdreg.scid  }
0x8b: {  	s0 =	sand.u32 $0x1, s1  }
0x8c: {  	s14 =	sshll.u32 s0, $0xA;
	s2 =	sadd.s32 s3, s2  }
0x8d: {  	s2 =	sadd.s32 s2, s14  }
0x8e: {  	[smem:$0x3FC7] =	sst s2  }
0x8f: {  	_ = 	snop  }
0x90: {  	s2 =	sld [smem:$0x3FD0];
	_ =	sdelay $0x2  }
0x91: {  	s15 =	simm.s32 $0xA;
	s4 =	simm.s32 $0x10  }
0x92: {  	[smem:s4], [sflag:s15] =	dma.local [hbm:s2], $0x1  }
0x93: {  	_ =	swait.eq [sflag:s15], $0x1  }
0x94: {  	s16 =	sld [smem:$0x10];
	[sflag:s15] =	ssyncset.done $0x0  }
0x95: {  	s17 =	sld [smem:$0x11];
	[sflag:s15] =	ssyncadd.s32 $0xFFFFFFFF  }
0x96: {  	s18 =	sld [smem:$0x12];
	(tm) =	ssettm $0x1  }
0x97: {  	s5 =	sld [smem:$0x3FFB];
	_ =	sdelay $0x3  }
0x98: {  	_ =	strace s5  }
0x99: {  	s5 =	sld [smem:$0x3FFC];
	_ =	sdelay $0x3  }
0x9a: {  	_ =	strace s5  }
0x9b: {  	s5 =	sld [smem:$0x3FFD];
	_ =	sdelay $0x3  }
0x9c: {  	_ =	strace s5  }
0x9d: {  	_ =	strace $0x8FFFFFFF  }
0x9e: {  	s19 =	sld [smem:$0x3FDB];
	_ =	sdelay $0x1  }
0x9f: {  	s6 =	simm.s32 $_scs_section_size  }
0xa0: {  	s7 =	simm.s32 $_size__tile_overlayer_lowered;
	s8 =	simm.s32 $_tile_overlayer_lowered  }
0xa1: {  	s22 =	simm.s32 $0x1BFF;
	s21 =	sshll.u32 s8, $0x1;
	s5 =	sadd.s32 s6, s19  }
0xa2: {  	s9 =	simm.s32 $0x0;
	s20 =	sshll.u32 s7, $0x1;
	s7 =	sadd.s32 s21, s5  }
0xa3: {  	[timem:s9], [sflag:s22] =	dma.local [hbm:s7], s20  }
0xa4: {  	_ =	swait.ge [sflag:s22], s20  }
0xa5: {  	s6 =	ssub.s32 $0x0, s20;
	[sflag:s22] =	ssyncset.done $0x0  }
0xa6: {  	[sflag:s22] =	ssyncadd.s32 s6;
	_ =	sdelay $0x1  }
0xa7: {  	s23 =	simm.s32 $0x1B8B  }
0xa8: {  	_ =	swait.ge [sflag:s23], $0x1  }
0xa9: {  	[sflag:s23] =	ssyncset.done $0x0  }
0xaa: {  	s25 =	simm.s32 $0x1B8E;
	s24 =	sld [smem:$0x3FFE];
	[sflag:s23] =	ssyncadd.s32 $0xFFFFFFFF  }
0xab: {  	s26 =	simm.s32 $execute0_lowered;
	[smem:$0x3FD2] =	sst s25  }
0xac: {  	s7 =	sshll.u32 s26, $0x1;
	_ =	strace $0x80000046;
	[dreg:$0x1] =	wrdreg $0xFFFFFFFF  }
0xad: {  	s28 =	simm.s32 $_size_execute0_lowered;
	s5 =	sadd.s32 s5, s7;
	[dreg:$0x0] =	wrdreg $0x0  }
0xae: {  	s7 =	sshll.u32 s28, $0x1;
	[dreg:$0x2] =	wrdreg s5  }
0xaf: {  	[dreg:$0x3] =	wrdreg s7  }
0xb0: {  	[dreg:$0x4] =	wrdreg $0xC0  }
0xb1: {  	_ =	task [dreg:s9], $0x5FFFF  }
0xb2: {  	[dreg:$0x1] =	wrdreg $0xFFFFFFFF  }
0xb3: {  	[dreg:$0x0] =	wrdreg $0x60  }
0xb4: {  	[dreg:$0x2] =	wrdreg s16  }
0xb5: {  	[dreg:$0x3] =	wrdreg s24  }
0xb6: {  	[dreg:$0x4] =	wrdreg s17  }
0xb7: {  	[dreg:$0x5] =	wrdreg s18  }
0xb8: {  	[dreg:$0x6] =	wrdreg $0x9  }
0xb9: {  	_ =	task.clear_ibuf [dreg:s9], $0x7FFFF;
	_ =	strace $0x90000046  }
0xba: {  	s29 =	simm.s32 $0x9;
	_ =	strace $0x80000048  }
0xbb: {  	_ =	swait.ge [sflag:s29], $0x1  }
0xbc: {  	[sflag:s29] =	ssyncadd.s32 $0xFFFFFFFF  }
0xbd: {  	_ =	strace $0x90000048  }
0xbe: {  	_ =	sfence  }
0xbf: {  	s30 =	sld [smem:$0x0];
	_ =	sdelay $0x2  }
0xc0: {  	s31 =	sshll.u32 s1, $0xD;
	s1 =	sshrl.u32 s1, $0x2  }
0xc1: {  	s3 =	sand.u32 $0x4000, s31;
	s1 =	sadd.s32 s1, s30  }
0xc2: {  	s0 =	sor.u32 s3, s0;
	s1 =	sshll.u32 s1, $0x11  }
0xc3: {  	s0 =	sor.u32 s1, s0  }
0xc4: {  	s0 =	sadd.s32 $0x8F2B, s0  }
0xc5: {  	[sflag:s0] =	ssyncadd.remote.s32 $0x1  }
0xc6: {  	_ =	sfence.sel $0xFFFF  }
0xc7: {  	[dreg:$0x0] =	wrdreg $0xFFFFFFFF;
	(pc) =	sbr.abs _section_cstart, $3  }
0xc8: {  	[dreg:$0x1] =	wrdreg $0xFFFFFFFF  }
0xc9: {  	_ =	task.clear_ibuf [dreg:s9], $0x2FFFF;
	_ =	strace $0x9FFFFFFF  }
0xca: {  	(tm) =	ssettm $0x7FFFFFFF  }
0xcb: {  	_ =	shalt  }
tec
execute0_lowered:
.L_overlay_start_1:
0x0: {  	(tag) =	ssettag $0x1  }
0x1: {  	s1 =	rddreg [dreg:$0x0]  }
0x2: {  	s11 =	rddreg [dreg:$0x1]  }
0x3: {  	s3 =	srdreg.scid;
	s2 =	rddreg [dreg:$0x2]  }
0x4: {  	s0 =	stileid.u32;
	s4 =	simm.s32 $0x0;
	s14 =	simm.s32 $0x80  }
0x5: {  	s26 =	simm.s32 $0x100;
	s15 =	simm.s32 $0x200;
	s16 =	simm.s32 $0x300  }
0x6: {  	s17 =	simm.s32 $0x400;
	s18 =	simm.s32 $0x500;
	s28 =	simm.s32 $0x980  }
0x7: {  	s29 =	simm.s32 $0x880;
	s30 =	simm.s32 $0xA00;
	s31 =	simm.s32 $0xA80  }
0x8: {  	s12 =	sand.u32 $0x1, s3;
	s3 =	rddreg [dreg:$0x3];
	s5 =	sshll.u32 s0, $0x6  }
0x9: {  	[smem:$0x7FF] =	sst s4;
	s7 =	sadd.s32 $0x2000, s11;
	s6 =	sshll.u32 s12, $0x5  }
0xa: {  	s8 =	sadd.s32 $0x2400, s11;
	s9 =	sadd.s32 $0x2C00, s11;
	s6 =	sor.u32 s6, s5  }
0xb: {  	s10 =	sadd.s32 $0x3000, s11;
	_ =	strace $0x80000047;
	s5 =	sadd.s32 s1, s6  }
0xc: {  	[dreg:$0xd] =	wrdreg s26;
	s6 =	sadd.s32 s11, s6;
	s1 =	sadd.s32 $0x10, s5  }
0xd: {  	s12 =	ssub.s32 $0x2, s12;
	s19 =	sadd.s32 $0x1400, s6;
	[dreg:$0x5] =	wrdreg s1  }
0xe: {  	s26 =	simm.s32 $0x900;
	s20 =	sadd.s32 $0x1C00, s6;
	[dreg:$0x6] =	wrdreg s19  }
0xf: {  	s13 =	sshrl.u32 s12, $0x1;
	s21 =	sadd.s32 $0x400, s6;
	[dreg:$0x7] =	wrdreg s20  }
0x10: {  	s12 =	ssub.s32 s12, s13;
	s22 =	sadd.s32 $0x800, s6;
	[dreg:$0x8] =	wrdreg s21  }
0x11: {  	s11 =	sadd.s32 $0x2800, s11;
	s23 =	sadd.s32 $0x1000, s6;
	[dreg:$0x9] =	wrdreg s22  }
0x12: {  	s13 =	simm.s32 $0x2;
	s24 =	sadd.s32 $0xC00, s6;
	[dreg:$0xa] =	wrdreg s23  }
0x13: {  	s25 =	sadd.s32 $0x1800, s6;
	s12 =	smax.u32 s12, $0x1;
	[dreg:$0xb] =	wrdreg s24  }
0x14: {  	[dreg:$0xc] =	wrdreg s25;
	s19 =	simm.s32 $0x600;
	s20 =	simm.s32 $0x700  }
0x15: {  	v0 =	vimm.f32 $1.000000000e+00;
	s21 =	simm.s32 $0x800;
	s22 =	simm.s32 $0x480;
	s23 =	simm.s32 $0x580  }
0x16: {  	v0 =	vand.u32 $0x7FFFFFFF, v0;
	s24 =	simm.s32 $0x680;
	s25 =	simm.s32 $0x780;
	s1 =	simm.s32 $0x1  }
.LBB2_1:
0x17: {  	[tilespmem:s4], [sflag:$0x2] =	stream.linear.gather [hbm4b:s5+s4], $0x80, $0x38;
	[tilespmem:$0xB00] =	vst v63  }
0x18: {  	_ =	swait.ge [sflag:s13], $0x80  }
0x19: {  	[sflag:s13] =	ssyncset.done $0x0  }
0x1a: {  	s0 =	rddreg [dreg:$0x5];
	[sflag:s13] =	ssyncadd.s32 $0xFFFFFF80  }
0x1b: {  	[tilespmem:s14], [sflag:$0x2] =	stream.linear.gather [hbm4b:s0+s4], $0x80, $0x38;
	[tilespmem:$0xB00] =	vst v63  }
0x1c: {  	_ =	swait.ge [sflag:s13], $0x80  }
0x1d: {  	[sflag:s13] =	ssyncset.done $0x0  }
0x1e: {  	s0 =	rddreg [dreg:$0xd];
	[sflag:s13] =	ssyncadd.s32 $0xFFFFFF80  }
0x1f: {  	[tilespmem:s0], [sflag:$0x2] =	stream.linear.gather [hbm4b:s6+s4], $0x100, $0x38;
	[tilespmem:$0xB00] =	vst v63  }
0x20: {  	_ =	swait.ge [sflag:s13], $0x100  }
0x21: {  	[sflag:s13] =	ssyncset.done $0x0  }
0x22: {  	s0 =	rddreg [dreg:$0x6];
	[sflag:s13] =	ssyncadd.s32 $0xFFFFFF00  }
0x23: {  	[tilespmem:s15], [sflag:$0x2] =	stream.linear.gather [hbm4b:s0+s4], $0x100, $0x38;
	[tilespmem:$0xB00] =	vst v63  }
0x24: {  	_ =	swait.ge [sflag:s13], $0x100  }
0x25: {  	[sflag:s13] =	ssyncset.done $0x0  }
0x26: {  	s0 =	rddreg [dreg:$0x7];
	[sflag:s13] =	ssyncadd.s32 $0xFFFFFF00  }
0x27: {  	[tilespmem:s16], [sflag:$0x2] =	stream.linear.gather [hbm4b:s0+s4], $0x100, $0x38;
	[tilespmem:$0xB00] =	vst v63  }
0x28: {  	_ =	swait.ge [sflag:s13], $0x100  }
0x29: {  	[sflag:s13] =	ssyncset.done $0x0  }
0x2a: {  	s0 =	rddreg [dreg:$0x8];
	[sflag:s13] =	ssyncadd.s32 $0xFFFFFF00  }
0x2b: {  	[tilespmem:s17], [sflag:$0x2] =	stream.linear.gather [hbm4b:s0+s4], $0x100, $0x38;
	[tilespmem:$0xB00] =	vst v63  }
0x2c: {  	_ =	swait.ge [sflag:s13], $0x100  }
0x2d: {  	[sflag:s13] =	ssyncset.done $0x0  }
0x2e: {  	s0 =	rddreg [dreg:$0x9];
	[sflag:s13] =	ssyncadd.s32 $0xFFFFFF00  }
0x2f: {  	[tilespmem:s18], [sflag:$0x2] =	stream.linear.gather [hbm4b:s0+s4], $0x100, $0x38;
	[tilespmem:$0xB00] =	vst v63  }
0x30: {  	_ =	swait.ge [sflag:s13], $0x100  }
0x31: {  	[sflag:s13] =	ssyncset.done $0x0  }
0x32: {  	s0 =	rddreg [dreg:$0xa];
	[sflag:s13] =	ssyncadd.s32 $0xFFFFFF00  }
0x33: {  	[tilespmem:s19], [sflag:$0x2] =	stream.linear.gather [hbm4b:s0+s4], $0x100, $0x38;
	[tilespmem:$0xB00] =	vst v63  }
0x34: {  	_ =	swait.ge [sflag:s13], $0x100  }
0x35: {  	[sflag:s13] =	ssyncset.done $0x0  }
0x36: {  	s0 =	rddreg [dreg:$0xb];
	[sflag:s13] =	ssyncadd.s32 $0xFFFFFF00  }
0x37: {  	[tilespmem:s20], [sflag:$0x2] =	stream.linear.gather [hbm4b:s0+s4], $0x100, $0x38;
	[tilespmem:$0xB00] =	vst v63  }
0x38: {  	_ =	swait.ge [sflag:s13], $0x100  }
0x39: {  	[sflag:s13] =	ssyncset.done $0x0  }
0x3a: {  	s0 =	rddreg [dreg:$0xc];
	[sflag:s13] =	ssyncadd.s32 $0xFFFFFF00  }
0x3b: {  	[tilespmem:s21], [sflag:$0x2] =	stream.linear.gather [hbm4b:s0+s4], $0x100, $0x38;
	[tilespmem:$0xB00] =	vst v63  }
0x3c: {  	_ =	swait.ge [sflag:s13], $0x100  }
0x3d: {  	[sflag:s13] =	ssyncset.done $0x0  }
0x3e: {  	[sflag:s13] =	ssyncadd.s32 $0xFFFFFF00  }
0x3f: {  	v1 =	vld [tilespmem:$0x100]  }
0x40: {  	v2 =	vld [tilespmem:$0x200]  }
0x41: {  	v3 =	vld [tilespmem:$0x300]  }
0x42: {  	v4 =	vld [tilespmem:$0x110]  }
0x43: {  	v5 =	vld [tilespmem:$0x210]  }
0x44: {  	v6 =	vld [tilespmem:$0x310]  }
0x45: {  	v7 =	vld [tilespmem:$0x120]  }
0x46: {  	v8 =	vld [tilespmem:$0x220]  }
0x47: {  	v9 =	vld [tilespmem:$0x320]  }
0x48: {  	v10 =	vld [tilespmem:$0x130]  }
0x49: {  	v11 =	vld [tilespmem:$0x230]  }
0x4a: {  	v12 =	vld [tilespmem:$0x140]  }
0x4b: {  	v51 =	vld [tilespmem:$0x240]  }
0x4c: {  	v52 =	vld [tilespmem:$0x340]  }
0x4d: {  	v16 =	vld [tilespmem:$0x160]  }
0x4e: {  	v56 =	vld [tilespmem:$0x260]  }
0x4f: {  	v59 =	vld [tilespmem:$0x360]  }
0x50: {  	v60 =	vld [tilespmem:$0x170]  }
0x51: {  	v24 =	vld [tilespmem:$0x180]  }
0x52: {  	v19 =	vld [tilespmem:$0x280]  }
0x53: {  	v26 =	vld [tilespmem:$0x190]  }
0x54: {  	v29 =	vld [tilespmem:$0x290]  }
0x55: {  	v47 =	vld [tilespmem:$0x1D0]  }
0x56: {  	v48 =	vld [tilespmem:$0x2D0]  }
0x57: {  	v62 =	vld [tilespmem:$0x270]  }
0x58: {  	v42 =	vld [tilespmem:$0x1C0];
	v1 =	vmul.f32 v2, v1;
	v7 =	vmul.f32 v8, v7  }
0x59: {  	v44 =	vld [tilespmem:$0x2C0];
	v55 =	vmul.f32 v11, v10;
	v10 =	vmul.f32 v56, v16  }
0x5a: {  	v53 =	vld [tilespmem:$0x150];
	v35 =	vmul.f32 v19, v24;
	v39 =	vmul.f32 v29, v26  }
0x5b: {  	v14 =	vld [tilespmem:$0x250];
	v56 =	vmul.f32 v48, v47;
	v1 =	vmul.f32 v3, v1  }
0x5c: {  	v63 =	vld [tilespmem:$0x370];
	v3 =	vmul.f32 v5, v4;
	v7 =	vmul.f32 v9, v7  }
0x5d: {  	v32 =	vld [tilespmem:$0x1A0];
	v4 =	vmul.f32 v51, v12;
	v10 =	vmul.f32 v59, v10  }
0x5e: {  	v34 =	vld [tilespmem:$0x2A0];
	v9 =	vmul.f32 v62, v60;
	v51 =	vmul.f32 v44, v42;
	v13 =	vand.u32 $0x80000000, v1  }
0x5f: {  	v2 =	vld [tilespmem:$0x330];
	v3 =	vmul.f32 v6, v3;
	vm0 =	vlt.f32 v1, $0.0e+00;
	vm1 =	vgt.f32 v1, $0.0e+00  }
0x60: {  	v17 =	vand.u32 $0x80000000, v7;
	vm6 =	vlt.f32 v7, $0.0e+00;
	vm7 =	vgt.f32 v7, $0.0e+00  }
0x61: {  	v4 =	vmul.f32 v52, v4;
	v6 =	vmul.f32 v14, v53;
	v33 =	vand.u32 $0x80000000, v10  }
0x62: {  	v54 =	vld [tilespmem:$0x350];
	v5 =	vmul.f32 v63, v9;
	vm13 =	vlt.f32 v10, $0.0e+00;
	vm14 =	vgt.f32 v10, $0.0e+00  }
0x63: {  	v31 =	vld [tilespmem:$0x390];
	v9 =	vmul.f32 v34, v32;
	v13 =	vor.u32 v13, v0;
	vm0 =	vmor vm1, vm0  }
0x64: {  	v36 =	vld [tilespmem:$0x3A0];
	v2 =	vmul.f32 v2, v55;
	v61 =	vor.u32 v17, v0;
	v38 =	vor.u32 v33, v0  }
0x65: {  	v15 =	vand.u32 $0x80000000, v3;
	vm5 =	vlt.f32 v3, $0.0e+00;
	vm2 =	vgt.f32 v3, $0.0e+00  }
0x66: {  	v57 =	vsel vm0, v13, v1;
	vm0 =	vmor vm7, vm6;
	vm10 =	vlt.f32 v4, $0.0e+00  }
0x67: {  	v25 =	vld [tilespmem:$0x380];
	[tilespmem:$0x900] =	vst v1;
	vm3 =	vgt.f32 v4, $0.0e+00;
	v20 =	vand.u32 $0x80000000, v4;
	v6 =	vmul.f32 v54, v6  }
0x68: {  	[tilespmem:$0x920] =	vst v7;
	vm15 =	vlt.f32 v5, $0.0e+00;
	vm6 =	vgt.f32 v5, $0.0e+00;
	v13 =	vmul.f32 v31, v39  }
0x69: {  	[tilespmem:$0x960] =	vst v10;
	v9 =	vmul.f32 v36, v9;
	v15 =	vor.u32 v15, v0;
	vm1 =	vmor vm2, vm5  }
0x6a: {  	[tilespmem:$0x910] =	vst v3;
	v18 =	vand.u32 $0x80000000, v2;
	vm8 =	vlt.f32 v2, $0.0e+00;
	vm9 =	vgt.f32 v2, $0.0e+00  }
0x6b: {  	[tilespmem:$0x940] =	vst v4;
	vm2 =	vmor vm3, vm10;
	v20 =	vor.u32 v20, v0;
	v1 =	vsel vm0, v61, v7  }
0x6c: {  	[tilespmem:$0x970] =	vst v5;
	v7 =	vmul.f32 v25, v35;
	v58 =	vsel vm1, v15, v3;
	vm1 =	vmor vm9, vm8  }
0x6d: {  	v37 =	vld [tilespmem:$0x2B0];
	[tilespmem:$0xA00] =	vst v57;
	v18 =	vor.u32 v18, v0;
	v28 =	vsel vm2, v20, v4;
	v30 =	vand.u32 $0x80000000, v6  }
0x6e: {  	v40 =	vld [tilespmem:$0x3B0];
	[tilespmem:$0x930] =	vst v2;
	vm11 =	vlt.f32 v6, $0.0e+00;
	vm12 =	vgt.f32 v6, $0.0e+00;
	vm2 =	vmor vm6, vm15  }
0x6f: {  	v46 =	vld [tilespmem:$0x3C0];
	[tilespmem:$0xA20] =	vst v1;
	vm9 =	vlt.f32 v13, $0.0e+00;
	vm10 =	vgt.f32 v13, $0.0e+00;
	v50 =	vand.u32 $0x80000000, v9  }
0x70: {  	v59 =	vld [tilespmem:$0x2F0];
	[tilespmem:$0x950] =	vst v6;
	v27 =	vsel vm1, v18, v2;
	v3 =	vor.u32 v30, v0;
	vm0 =	vmor vm12, vm11  }
0x71: {  	v52 =	vld [tilespmem:$0x3D0];
	[tilespmem:$0x990] =	vst v13;
	vm1 =	vmor vm14, vm13;
	v2 =	vand.u32 $0x80000000, v5;
	v43 =	vand.u32 $0x80000000, v7  }
0x72: {  	v53 =	vld [tilespmem:$0x1E0];
	[tilespmem:$0x9A0] =	vst v9;
	vm7 =	vlt.f32 v7, $0.0e+00;
	vm8 =	vgt.f32 v7, $0.0e+00;
	vm11 =	vmor vm10, vm9  }
0x73: {  	v1 =	vld [tilespmem:$0x1B0];
	[tilespmem:$0xA10] =	vst v58;
	vm12 =	vlt.f32 v9, $0.0e+00;
	vm13 =	vgt.f32 v9, $0.0e+00;
	v2 =	vor.u32 v2, v0  }
0x74: {  	[tilespmem:$0xA40] =	vst v28;
	v58 =	vld [tilespmem:$0x1F0];
	v3 =	vsel vm0, v3, v6;
	v41 =	vsel vm1, v38, v10;
	v45 =	vor.u32 v43, v0  }
0x75: {  	v55 =	vld [tilespmem:$0x2E0];
	[tilespmem:$0x980] =	vst v7;
	vm0 =	vmor vm8, vm7;
	v6 =	vmul.f32 v46, v51;
	v2 =	vsel vm2, v2, v5  }
0x76: {  	[tilespmem:$0xA50] =	vst v3;
	v3 =	vand.u32 $0x80000000, v13;
	v49 =	vsel vm0, v45, v7;
	vm0 =	vmor vm13, vm12  }
0x77: {  	[tilespmem:$0xA30] =	vst v27;
	v3 =	vor.u32 v3, v0;
	vm7 =	vlt.f32 v6, $0.0e+00;
	vm8 =	vgt.f32 v6, $0.0e+00  }
0x78: {  	[tilespmem:$0xA70] =	vst v2;
	v1 =	vmul.f32 v37, v1;
	v2 =	vsel vm11, v3, v13;
	v3 =	vor.u32 v50, v0  }
0x79: {  	[tilespmem:$0xA90] =	vst v2;
	v2 =	vmul.f32 v52, v56;
	v3 =	vsel vm0, v3, v9;
	v4 =	vmul.f32 v59, v58  }
0x7a: {  	v57 =	vld [tilespmem:$0x3E0];
	vm9 =	vmor vm8, vm7;
	v1 =	vmul.f32 v40, v1;
	[tilespmem:$0xAA0] =	vst v3;
	v3 =	vmul.f32 v55, v53  }
0x7b: {  	v60 =	vld [tilespmem:$0x3F0];
	[tilespmem:$0xA60] =	vst v41;
	vm10 =	vlt.f32 v2, $0.0e+00;
	vm11 =	vgt.f32 v2, $0.0e+00;
	v61 =	vand.u32 $0x80000000, v2  }
0x7c: {  	[tilespmem:$0xA80] =	vst v49;
	v54 =	vand.u32 $0x80000000, v1;
	vm14 =	vlt.f32 v1, $0.0e+00;
	vm15 =	vgt.f32 v1, $0.0e+00  }
0x7d: {  	[tilespmem:$0x9C0] =	vst v6;
	vm1 =	vmor vm11, vm10;
	v7 =	vor.u32 v54, v0;
	vm6 =	vmor vm15, vm14  }
0x7e: {  	[tilespmem:$0x9B0] =	vst v1;
	v62 =	vor.u32 v61, v0;
	v7 =	vsel vm6, v7, v1;
	v1 =	vand.u32 $0x80000000, v6  }
0x7f: {  	[tilespmem:$0x9D0] =	vst v2;
	v3 =	vmul.f32 v57, v3;
	v63 =	vsel vm1, v62, v2;
	v1 =	vor.u32 v1, v0  }
0x80: {  	v2 =	vmul.f32 v60, v4;
	[tilespmem:$0xAD0] =	vst v63;
	v1 =	vsel vm9, v1, v6  }
0x81: {  	vm12 =	vlt.f32 v3, $0.0e+00;
	vm13 =	vgt.f32 v3, $0.0e+00;
	[tilespmem:$0xAC0] =	vst v1;
	v1 =	vand.u32 $0x80000000, v3  }
0x82: {  	[tilespmem:$0x9E0] =	vst v3;
	vm0 =	vmor vm13, vm12;
	vm14 =	vlt.f32 v2, $0.0e+00;
	v1 =	vor.u32 v1, v0  }
0x83: {  	[tilespmem:$0xAB0] =	vst v7;
	vm15 =	vgt.f32 v2, $0.0e+00;
	v1 =	vsel vm0, v1, v3;
	v3 =	vand.u32 $0x80000000, v2  }
0x84: {  	vm0 =	vmor vm15, vm14;
	[tilespmem:$0xAE0] =	vst v1;
	v1 =	vor.u32 v3, v0  }
0x85: {  	[tilespmem:$0x9F0] =	vst v2;
	v1 =	vsel vm0, v1, v2  }
0x86: {  	[tilespmem:$0xAF0] =	vst v1  }
0x87: {  	[hbm4b:s7+s14] =	stream.indirect.scatter [tilespmem:s17], [sflag:$0x1], $0x1, s4, s14, $0xb8;
	[tilespmem:$0xB00] =	vst v63  }
0x88: {  	_ = 	snop  }
0x89: {  	[hbm4b:s7+s14] =	stream.indirect.scatter [tilespmem:s22], [sflag:$0x1], $0x1, s14, s14, $0xb8;
	[tilespmem:$0xB00] =	vst v63  }
0x8a: {  	_ = 	snop  }
0x8b: {  	[hbm4b:s8+s14] =	stream.indirect.scatter [tilespmem:s18], [sflag:$0x1], $0x1, s4, s14, $0xb8;
	[tilespmem:$0xB00] =	vst v63  }
0x8c: {  	_ = 	snop  }
0x8d: {  	[hbm4b:s8+s14] =	stream.indirect.scatter [tilespmem:s23], [sflag:$0x1], $0x1, s14, s14, $0xb8;
	[tilespmem:$0xB00] =	vst v63  }
0x8e: {  	_ = 	snop  }
0x8f: {  	[hbm4b:s9+s14] =	stream.indirect.scatter [tilespmem:s19], [sflag:$0x1], $0x1, s4, s14, $0xb8;
	[tilespmem:$0xB00] =	vst v63  }
0x90: {  	_ = 	snop  }
0x91: {  	[hbm4b:s9+s14] =	stream.indirect.scatter [tilespmem:s24], [sflag:$0x1], $0x1, s14, s14, $0xb8;
	[tilespmem:$0xB00] =	vst v63  }
0x92: {  	_ = 	snop  }
0x93: {  	[hbm4b:s10+s14] =	stream.indirect.scatter [tilespmem:s20], [sflag:$0x1], $0x1, s4, s14, $0xb8;
	[tilespmem:$0xB00] =	vst v63  }
0x94: {  	_ = 	snop  }
0x95: {  	[hbm4b:s10+s14] =	stream.indirect.scatter [tilespmem:s25], [sflag:$0x1], $0x1, s14, s14, $0xb8;
	[tilespmem:$0xB00] =	vst v63  }
0x96: {  	_ = 	snop  }
0x97: {  	[hbm4b:s2+s14] =	stream.indirect.scatter [tilespmem:s26], [sflag:$0x1], $0x1, s4, s14, $0xb8;
	[tilespmem:$0xB00] =	vst v63  }
0x98: {  	_ = 	snop  }
0x99: {  	[hbm4b:s2+s14] =	stream.indirect.scatter [tilespmem:s28], [sflag:$0x1], $0x1, s14, s14, $0xb8;
	[tilespmem:$0xB00] =	vst v63  }
0x9a: {  	_ = 	snop  }
0x9b: {  	[hbm4b:s3+s14] =	stream.indirect.scatter [tilespmem:s21], [sflag:$0x1], $0x1, s4, s14, $0xb8;
	[tilespmem:$0xB00] =	vst v63  }
0x9c: {  	_ = 	snop  }
0x9d: {  	[hbm4b:s3+s14] =	stream.indirect.scatter [tilespmem:s29], [sflag:$0x1], $0x1, s14, s14, $0xb8;
	[tilespmem:$0xB00] =	vst v63  }
0x9e: {  	_ = 	snop  }
0x9f: {  	[hbm4b:s11+s14] =	stream.indirect.scatter [tilespmem:s30], [sflag:$0x1], $0x1, s4, s14, $0xb8;
	[tilespmem:$0xB00] =	vst v63  }
0xa0: {  	_ = 	snop  }
0xa1: {  	[hbm4b:s11+s14] =	stream.indirect.scatter [tilespmem:s31], [sflag:$0x1], $0x1, s14, s14, $0xb8;
	[tilespmem:$0xB00] =	vst v63  }
0xa2: {  	_ =	swait.ge [sflag:s1], $0x80  }
0xa3: {  	[sflag:s1] =	ssyncset.done $0x0  }
0xa4: {  	[sflag:s1] =	ssyncadd.s32 $0xFFFFFF80  }
0xa5: {  	_ =	swait.ge [sflag:s1], $0x80  }
0xa6: {  	[sflag:s1] =	ssyncset.done $0x0  }
0xa7: {  	[sflag:s1] =	ssyncadd.s32 $0xFFFFFF80  }
0xa8: {  	_ =	swait.ge [sflag:s1], $0x80  }
0xa9: {  	[sflag:s1] =	ssyncset.done $0x0  }
0xaa: {  	[sflag:s1] =	ssyncadd.s32 $0xFFFFFF80  }
0xab: {  	_ =	swait.ge [sflag:s1], $0x80  }
0xac: {  	[sflag:s1] =	ssyncset.done $0x0  }
0xad: {  	[sflag:s1] =	ssyncadd.s32 $0xFFFFFF80  }
0xae: {  	_ =	swait.ge [sflag:s1], $0x80  }
0xaf: {  	[sflag:s1] =	ssyncset.done $0x0  }
0xb0: {  	[sflag:s1] =	ssyncadd.s32 $0xFFFFFF80  }
0xb1: {  	_ =	swait.ge [sflag:s1], $0x80  }
0xb2: {  	[sflag:s1] =	ssyncset.done $0x0  }
0xb3: {  	[sflag:s1] =	ssyncadd.s32 $0xFFFFFF80  }
0xb4: {  	_ =	swait.ge [sflag:s1], $0x80  }
0xb5: {  	[sflag:s1] =	ssyncset.done $0x0  }
0xb6: {  	[sflag:s1] =	ssyncadd.s32 $0xFFFFFF80  }
0xb7: {  	_ =	swait.ge [sflag:s1], $0x80  }
0xb8: {  	[sflag:s1] =	ssyncset.done $0x0  }
0xb9: {  	[sflag:s1] =	ssyncadd.s32 $0xFFFFFF80  }
0xba: {  	_ =	swait.ge [sflag:s1], $0x80  }
0xbb: {  	[sflag:s1] =	ssyncset.done $0x0  }
0xbc: {  	[sflag:s1] =	ssyncadd.s32 $0xFFFFFF80  }
0xbd: {  	_ =	swait.ge [sflag:s1], $0x80  }
0xbe: {  	[sflag:s1] =	ssyncset.done $0x0  }
0xbf: {  	[sflag:s1] =	ssyncadd.s32 $0xFFFFFF80  }
0xc0: {  	_ =	swait.ge [sflag:s1], $0x80  }
0xc1: {  	[sflag:s1] =	ssyncset.done $0x0  }
0xc2: {  	[sflag:s1] =	ssyncadd.s32 $0xFFFFFF80  }
0xc3: {  	_ =	swait.ge [sflag:s1], $0x80  }
0xc4: {  	[sflag:s1] =	ssyncset.done $0x0  }
0xc5: {  	[sflag:s1] =	ssyncadd.s32 $0xFFFFFF80  }
0xc6: {  	p0 =	sne.s32 s12, $0x1;
	_ =	swait.ge [sflag:s1], $0x80  }
.Ltmp0:
0xc7: {  	[sflag:s1] =	ssyncset.done $0x0;
	(pc) =	sbr.rel @p0 .LBB2_1-.Ltmp0, $4  }
0xc8: {  	[sflag:s1] =	ssyncadd.s32 $0xFFFFFF80  }
0xc9: {  	_ =	swait.ge [sflag:s1], $0x80  }
0xca: {  	[sflag:s1] =	ssyncset.done $0x0  }
0xcb: {  	s12 =	sadd.s32 $0xFFFFFFFF, s12;
	[sflag:s1] =	ssyncadd.s32 $0xFFFFFF80  }
0xcc: {  	_ =	sfence.sel $0x180000  }
0xcd: {  	[bflag:$0x0] =	sbarrier.arrive $0xFFFF  }
0xce: {  	_ =	strace $0x90000047  }
0xcf: {  	s0 =	stileid.u32;
	[bflag:$0x2] =	sbarrier.arrive $0xFFFF  }
0xd0: {  	p0 =	sne.s32 s0, $0x0;
	s0 =	rddreg [dreg:$0x4]  }
0xd1: {  	s0 =	sadd.s32 @!p0 $0x100000, s0  }
0xd2: {  	[sflag:s0] =	ssyncadd.tile.s32 @!p0 $0x1;
	_ =	shalt  }
.Lfunc_end2:
_tile_overlayer_lowered:
.L_overlay_start_2:
0xd3: {  	(tag) =	ssettag $0x2  }
0xd4: {  	s0 =	rddreg [dreg:$0x0];
	s2 =	stileid.u32  }
0xd5: {  	s1 =	rddreg [dreg:$0x1];
	p0 =	sne.s32 s2, $0x0  }
0xd6: {  	s3 =	rddreg [dreg:$0x2];
	[bflag:$0x3] =	sbarrier.arrive $0xFFFF;
	s2 =	simm.s32 @!p0 $0x1C02  }
0xd7: {  	[timem:s3], [sflag:s2] =	dma.local @!p0 [hbm:s0], s1  }
0xd8: {  	s0 =	simm.s32 @!p0 $0x2  }
0xd9: {  	_ =	swait.ge @!p0 [sflag:s0], s1  }
0xda: {  	s1 =	ssub.s32 @!p0 $0x0, s1;
	[sflag:s0] =	ssyncset.done @!p0 $0x0  }
0xdb: {  	[sflag:s0] =	ssyncadd.s32 @!p0 s1  }
0xdc: {  	[bflag:$0x3] =	sbarrier.arrive $0xFFFF  }
0xdd: {  	_ =	shalt  }

</sc_bundles>
